<compile_context>
chip_gen: v7x
topology: tpu7x:2x2x1
jax: 0.10.2.dev20260603
libtpu: 0.0.44.dev20260713+nightly
codegen_flags: <defaults>
</compile_context>

<pallas_src>
import functools

import jax
import jax.numpy as jnp
from jax import lax
from jax.experimental import pallas as pl
from jax.experimental.pallas import tpu as pltpu
from jax.experimental.pallas import tpu_sc as plsc

_B, _N, _K, _CIN, _COUT = 4, 4096, 20, 32, 64
_QT = 256
_PT = 512
_NT = (_B * _N) // _PT


def _knn_body(xq_ref, xkT_ref, sqq_ref, sqk_ref, idx_ref):
    b = pl.program_id(0)
    xq = xq_ref[0]
    xkT = xkT_ref[0]
    mm = jnp.dot(xq, xkT, preferred_element_type=jnp.float32)
    D = (sqq_ref[0] + sqk_ref[0]) - 2.0 * mm
    iota = lax.broadcasted_iota(jnp.int32, (_QT, _N), 1)
    cols = []
    for j in range(_K):
        s = jnp.argmin(D, axis=1).astype(jnp.int32)[:, None]
        cols.append(s)
        if j < _K - 1:
            D = jnp.where(iota == s, jnp.float32(jnp.inf), D)
    gi = jnp.concatenate(cols, axis=1) + b * _N
    idx_ref[...] = jnp.transpose(gi)


def _knn(xp8, xp8T, sq3, sqr):
    return pl.pallas_call(
        _knn_body,
        grid=(_B, _N // _QT),
        in_specs=[
            pl.BlockSpec((1, _QT, 8), lambda b, t: (b, t, 0)),
            pl.BlockSpec((1, 8, _N), lambda b, t: (b, 0, 0)),
            pl.BlockSpec((1, _QT, 1), lambda b, t: (b, t, 0)),
            pl.BlockSpec((1, 1, _N), lambda b, t: (b, 0, 0)),
        ],
        out_specs=pl.BlockSpec((_K, _QT), lambda b, t: (0, b * (_N // _QT) + t)),
        out_shape=jax.ShapeDtypeStruct((_K, _B * _N), jnp.int32),
    )(xp8, xp8T, sq3, sqr)



_NC, _NS = 2, 16
_NW = _NC * _NS
_TOT = _B * _N * _K
_PER_W = _TOT // _NW
_CH = 128
_NCH = _PER_W // _CH
_G = 4
_NG = _NCH // _G
_TW = 48


def _sc_gather(tab48, idx2d):
    mesh = plsc.VectorSubcoreMesh(core_axis_name="c", subcore_axis_name="s")

    @functools.partial(
        pl.kernel,
        mesh=mesh,
        out_type=jax.ShapeDtypeStruct((_TOT, _TW), jnp.float32),
        scratch_types=[
            pltpu.VMEM((_G, _CH), jnp.int32),
            pltpu.VMEM((_G, _CH, _TW), jnp.float32),
            pltpu.SemaphoreType.DMA,
            pltpu.SemaphoreType.DMA,
        ],
        compiler_params=pltpu.CompilerParams(use_tc_tiling_on_sc=False),
    )
    def gk(tab_hbm, idx_hbm, out, idx_v, buf, sem_g, sem_s):
        wid = lax.axis_index("s") * _NC + lax.axis_index("c")
        cbase = wid * _NCH

        def body(g, carry):
            c0 = cbase + g * _G
            pltpu.sync_copy(idx_hbm.at[pl.ds(c0, _G)], idx_v)
            hs = [pltpu.async_copy(tab_hbm.at[idx_v.at[j]], buf.at[j], sem_g)
                  for j in range(_G)]
            for h in hs:
                h.wait()
            ws = [pltpu.async_copy(buf.at[j],
                                   out.at[pl.ds((c0 + j) * _CH, _CH)], sem_s)
                  for j in range(_G)]
            for w in ws:
                w.wait()
            return carry

        lax.fori_loop(0, _NG, body, 0)

    return gk(tab48, idx2d)



def _pipe_body(co_ref, fr_ref, wa_ref, wb_ref, s8_ref, wc1_ref, bm_ref,
               ww_ref, wct_ref, wcb_ref, bc_ref, wo_ref, bo_ref,
               pre_ref, ps_ref, psq_ref):
    co = co_ref[...]
    co0 = co[0]
    Z = (co - co0[None]).reshape(_K * _PT, _TW)
    t1 = jnp.dot(co0, wa_ref[...], preferred_element_type=jnp.float32)
    t2 = jnp.dot(Z, wb_ref[...], preferred_element_type=jnp.float32)
    ss = jnp.dot(Z * Z, s8_ref[...], preferred_element_type=jnp.float32)
    xdis = jnp.sqrt(ss[:, 0:1] + 1e-12)
    xfe = (jnp.broadcast_to(t1[None], (_K, _PT, _CIN)).reshape(_K * _PT, _CIN)
           + t2 + xdis * wc1_ref[...] + bm_ref[...])
    fg = co[:, :, 0:_CIN].reshape(_K * _PT, _CIN)
    w = ww_ref[...]
    attL = (jnp.dot(fg, w[0:_CIN, 0:_CIN], preferred_element_type=jnp.float32)
            + jnp.dot(xfe, w[_CIN:, 0:_CIN], preferred_element_type=jnp.float32))
    attR = (jnp.dot(fg, w[0:_CIN, _CIN:], preferred_element_type=jnp.float32)
            + jnp.dot(xfe, w[_CIN:, _CIN:], preferred_element_type=jnp.float32))
    eL = jnp.exp(attL)
    eR = jnp.exp(attR)
    ones32 = bm_ref[...] * 0.0 + 1.0
    den = jnp.dot(eL + eR, jnp.broadcast_to(ones32, (_CIN, _CIN)),
                  preferred_element_type=jnp.float32)
    aL = (eL / den) * fg
    aR = (eR / den) * xfe
    aggL = jnp.sum(aL.reshape(_K, _PT, _CIN), axis=0)
    aggR = jnp.sum(aR.reshape(_K, _PT, _CIN), axis=0)
    out1 = (jnp.dot(aggL, wct_ref[...], preferred_element_type=jnp.float32)
            + jnp.dot(aggR, wcb_ref[...], preferred_element_type=jnp.float32)
            + bc_ref[...])
    skip = jnp.dot(fr_ref[...], wo_ref[...], preferred_element_type=jnp.float32)
    pre = out1 + skip + bo_ref[...]
    pre_ref[...] = pre
    ps_ref[...] = jnp.sum(pre, 0, keepdims=True)[None]
    psq_ref[...] = jnp.sum(pre * pre, 0, keepdims=True)[None]


def _pipe(g_all, f_flat, wa, wb, s8, wc1, bm2, wwT, wct, wcb, bc2, woT, bo2):
    full = lambda t: (0, 0)
    return pl.pallas_call(
        _pipe_body,
        grid=(_NT,),
        in_specs=[
            pl.BlockSpec((_K, _PT, _TW), lambda t: (0, t, 0)),
            pl.BlockSpec((_PT, _CIN), lambda t: (t, 0)),
            pl.BlockSpec((_TW, _CIN), full),
            pl.BlockSpec((_TW, _CIN), full),
            pl.BlockSpec((_TW, 8), full),
            pl.BlockSpec((1, _CIN), full),
            pl.BlockSpec((1, _CIN), full),
            pl.BlockSpec((2 * _CIN, 2 * _CIN), full),
            pl.BlockSpec((_CIN, _COUT), full),
            pl.BlockSpec((_CIN, _COUT), full),
            pl.BlockSpec((1, _COUT), full),
            pl.BlockSpec((_CIN, _COUT), full),
            pl.BlockSpec((1, _COUT), full),
        ],
        out_specs=[
            pl.BlockSpec((_PT, _COUT), lambda t: (t, 0)),
            pl.BlockSpec((1, 1, _COUT), lambda t: (t, 0, 0)),
            pl.BlockSpec((1, 1, _COUT), lambda t: (t, 0, 0)),
        ],
        out_shape=[
            jax.ShapeDtypeStruct((_B * _N, _COUT), jnp.float32),
            jax.ShapeDtypeStruct((_NT, 1, _COUT), jnp.float32),
            jax.ShapeDtypeStruct((_NT, 1, _COUT), jnp.float32),
        ],
    )(g_all, f_flat, wa, wb, s8, wc1, bm2, wwT, wct, wcb, bc2, woT, bo2)



def _bn_body(pre_ref, ps_ref, psq_ref, g_ref, b_ref, out_ref):
    cnt = jnp.float32(_B * _N)
    mean = jnp.sum(ps_ref[...][:, 0, :], axis=0, keepdims=True) / cnt
    msq = jnp.sum(psq_ref[...][:, 0, :], axis=0, keepdims=True) / cnt
    var = msq - mean * mean
    inv = lax.rsqrt(var + 1e-5)
    res = (pre_ref[...] - mean) * inv * g_ref[...] + b_ref[...]
    out_ref[0] = jnp.transpose(res)


_ET = 2048


def _bnorm(pre, ps, psq, g2, b2):
    full = lambda t: (0, 0)
    full3 = lambda t: (0, 0, 0)
    return pl.pallas_call(
        _bn_body,
        grid=((_B * _N) // _ET,),
        in_specs=[
            pl.BlockSpec((_ET, _COUT), lambda t: (t, 0)),
            pl.BlockSpec((_NT, 1, _COUT), full3),
            pl.BlockSpec((_NT, 1, _COUT), full3),
            pl.BlockSpec((1, _COUT), full),
            pl.BlockSpec((1, _COUT), full),
        ],
        out_specs=pl.BlockSpec((1, _COUT, _ET),
                               lambda t: (t // (_N // _ET), 0, t % (_N // _ET))),
        out_shape=jax.ShapeDtypeStruct((_B, _COUT, _N), jnp.float32),
    )(pre, ps, psq, g2, b2)



def kernel(x, feature, W_mlp, b_mlp, W_w, W_c, b_c, W_o, b_o, gamma, beta):
    xp = jnp.transpose(x, (0, 2, 1))
    sq = jnp.sum(xp * xp, axis=-1)
    xp8 = jnp.pad(xp, ((0, 0), (0, 0), (0, 5)))
    xp8T = jnp.transpose(xp8, (0, 2, 1))

    gidxk = _knn(xp8, xp8T, sq[..., None], sq[:, None, :])
    idx2d = gidxk.reshape(_TOT // _CH, _CH)

    f_flat = jnp.transpose(feature, (0, 2, 1)).reshape(_B * _N, _CIN)
    tab48 = jnp.concatenate(
        [f_flat, xp.reshape(_B * _N, 3),
         jnp.zeros((_B * _N, _TW - _CIN - 3), jnp.float32)], axis=1)

    g_all = _sc_gather(tab48, idx2d).reshape(_K, _B * _N, _TW)

    wa = jnp.concatenate([jnp.zeros((_CIN, _CIN), jnp.float32),
                          W_mlp[:, 0:3].T,
                          jnp.zeros((_TW - _CIN - 3, _CIN), jnp.float32)], 0)
    wb = jnp.concatenate([jnp.zeros((_CIN, _CIN), jnp.float32),
                          W_mlp[:, 3:6].T,
                          jnp.zeros((_TW - _CIN - 3, _CIN), jnp.float32)], 0)
    s8 = jnp.concatenate([jnp.zeros((_CIN, 8), jnp.float32),
                          jnp.ones((3, 8), jnp.float32),
                          jnp.zeros((_TW - _CIN - 3, 8), jnp.float32)], 0)
    wc1 = W_mlp[:, 6][None, :]
    wcT = W_c.T
    pre, ps, psq = _pipe(g_all, f_flat, wa, wb, s8, wc1, b_mlp[None, :],
                         W_w.T, wcT[0:_CIN], wcT[_CIN:], b_c[None, :],
                         W_o.T, b_o[None, :])
    return _bnorm(pre, ps, psq, gamma[None, :], beta[None, :])

# --- scband reference (transcript-rebuilt; emitter-appended) ---
"""Pipeline reference for scband-rand-lanet-5265629905071 (READ-ONLY COPY).

The authoritative reference and input builder live on the scoring server;
editing this copy changes nothing except your own understanding.
"""

import jax, jax.numpy as jnp
import numpy as np

B, N, K, C_IN, C_OUT = 4, 4096, 20, 32, 64


def setup_inputs(seed: int = 0) -> dict:
    key = jax.random.key(seed)
    ks = jax.random.split(key, 8)
    s = 0.05
    inp = {}
    inp["x"] = jax.random.normal(ks[0], (B, 3, N), dtype=jnp.float32)
    inp["feature"] = jax.random.normal(ks[1], (B, C_IN, N), dtype=jnp.float32)
    # mlp: Conv1d(7, in_c, k=1, bias=True)
    inp["W_mlp"] = jax.random.normal(ks[2], (C_IN, 7), dtype=jnp.float32) * s
    inp["b_mlp"] = jnp.zeros((C_IN,), dtype=jnp.float32)
    # mlp_weight: Conv1d(2*in_c, 2*in_c, k=1, bias=False)
    inp["W_w"] = jax.random.normal(ks[3], (2 * C_IN, 2 * C_IN), dtype=jnp.float32) * s
    # conv: Linear(2*in_c, out_c)
    inp["W_c"] = jax.random.normal(ks[4], (C_OUT, 2 * C_IN), dtype=jnp.float32) * s
    inp["b_c"] = jnp.zeros((C_OUT,), dtype=jnp.float32)
    # mlp_out: Conv1d(in_c, out_c, k=1, bias=True)
    inp["W_o"] = jax.random.normal(ks[5], (C_OUT, C_IN), dtype=jnp.float32) * s
    inp["b_o"] = jnp.zeros((C_OUT,), dtype=jnp.float32)
    # BatchNorm1d(out_c), training mode (batch stats)
    inp["gamma"] = jnp.ones((C_OUT,), dtype=jnp.float32)
    inp["beta"] = jnp.zeros((C_OUT,), dtype=jnp.float32)
    return inp


def reference(x, feature, W_mlp, b_mlp, W_w, W_c, b_c, W_o, b_o, gamma, beta):
    # x: [B, 3, N], feature: [B, C_IN, N]
    xp = jnp.transpose(x, (0, 2, 1))  # [B, N, 3]
    sq = jnp.sum(xp * xp, axis=-1)  # [B, N]
    d = sq[:, :, None] + sq[:, None, :] - 2.0 * jnp.einsum('bnd,bmd->bnm', xp, xp)
    # argkmin over squared distance (KeOps generic_argkmin equivalent)
    neigh = jax.lax.top_k(-d, K)[1]  # [B, N, K] int32
    idx = (neigh + (jnp.arange(B) * N)[:, None, None]).reshape(-1)  # [B*N*K]
    x_flat = xp.reshape(B * N, 3)
    x_neighs = x_flat[idx].reshape(B * N, K, 3)
    x_repeat = jnp.broadcast_to(x_neighs[:, 0:1, :], x_neighs.shape)
    x_rel = x_neighs - x_repeat
    x_dis = jnp.sqrt(jnp.sum(x_rel * x_rel, axis=-1, keepdims=True) + 1e-12)
    x_feats = jnp.concatenate([x_repeat, x_rel, x_dis], axis=-1)  # [B*N, K, 7]
    # mlp: pointwise conv over channel dim 7 -> C_IN, output layout [B*N, C_IN, K]
    x_feats = jnp.einsum('oc,bkc->bok', W_mlp, x_feats) + b_mlp[None, :, None]
    f_flat = jnp.transpose(feature, (0, 2, 1)).reshape(B * N, C_IN)
    feats = f_flat[idx].reshape(B * N, K, C_IN)
    feats = jnp.transpose(feats, (0, 2, 1))  # [B*N, C_IN, K]
    feats = jnp.concatenate([feats, x_feats], axis=1)  # [B*N, 2*C_IN, K]
    att = jnp.einsum('oc,bck->bok', W_w, feats)
    att = jax.nn.softmax(att, axis=1)
    feats = jnp.sum(att * feats, axis=-1)  # [B*N, 2*C_IN]
    out = feats @ W_c.T + b_c  # [B*N, C_OUT]
    out = jnp.transpose(out.reshape(B, N, C_OUT), (0, 2, 1))  # [B, C_OUT, N]
    out = out + jnp.einsum('oc,bcn->bon', W_o, feature) + b_o[None, :, None]
    # BatchNorm1d (training mode, biased variance)
    mean = jnp.mean(out, axis=(0, 2), keepdims=True)
    var = jnp.var(out, axis=(0, 2), keepdims=True)
    out = (out - mean) / jnp.sqrt(var + 1e-5)
    out = out * gamma[None, :, None] + beta[None, :, None]
    return out

if __name__ == "__main__":
    import jax
    _d = setup_inputs()
    print(jax.jit(kernel)(*tuple(_d.values())))

</pallas_src>

<mosaic_0001>
#map = affine_map<(d0, d1) -> (0, 0)>
module attributes {stable_mosaic.version = 14 : i64} {
  func.func @gk(%arg0: i32, %arg1: i32, %arg2: memref<16384x48xf32, #tpu.memory_space<hbm>>, %arg3: memref<2560x128xi32, #tpu.memory_space<hbm>>, %arg4: memref<327680x48xf32, #tpu.memory_space<hbm>>, %arg5: memref<4x128xi32, #tpu.memory_space<vmem>>, %arg6: memref<4x128x48xf32, #tpu.memory_space<vmem>>, %arg7: memref<!tpu.dma_semaphore, #tpu.memory_space<semaphore_mem>>, %arg8: memref<!tpu.dma_semaphore, #tpu.memory_space<semaphore_mem>>) attributes {dimension_semantics = [#tpu.dimension_semantics<core_parallel>, #tpu.dimension_semantics<subcore_parallel>], iteration_bounds = array<i64: 2, 16>, scalar_prefetch = 0 : i64, scratch_operands = 4 : i64, tpu.core_type = #tpu.core_type<sc_vector_subcore>, window_params = [{transform_indices = #map}, {transform_indices = #map}, {transform_indices = #map}]} {
    %mul3A = arith.constant 2 : i32
    %mul3A_0 = arith.muli %arg1, %mul3A : i32
    %add3A = arith.addi %mul3A_0, %arg0 : i32
    %mul3A_1 = arith.constant 80 : i32
    %mul3A_2 = arith.muli %add3A, %mul3A_1 : i32
    %scan3A = arith.constant 0 : i32
    %scan3A_3 = arith.constant 0 : i32
    %scan3A_4 = arith.constant 20 : i32
    %scan3A_5 = arith.addi %scan3A_3, %scan3A_4 : i32
    %scan3A_6 = arith.constant 1 : i32
    scf.for %scan3A_8 = %scan3A_3 to %scan3A_5 step %scan3A_6  : i32 {
      %mul3A_9 = arith.constant 4 : i32
      %mul3A_10 = arith.muli %scan3A_8, %mul3A_9 : i32
      %add3A_11 = arith.addi %mul3A_2, %mul3A_10 : i32
      "tpu.region"() ({
        %run_scoped3A = tpu.sem_alloc : memref<!tpu.dma_semaphore, #tpu.memory_space<semaphore_mem>>
        %dma_start3A_226 = arith.constant 0 : i32
        %dma_start3A_227 = tpu.memref_slice %arg3[%add3A_11, %dma_start3A_226] : memref<2560x128xi32, #tpu.memory_space<hbm>> -> memref<4x128xi32, #tpu.memory_space<hbm>>
        %dma_start3A_228 = arith.constant 0 : i32
        %dma_start3A_229 = tpu.memref_slice %arg3[%add3A_11, %dma_start3A_228] : memref<2560x128xi32, #tpu.memory_space<hbm>> -> memref<4x128xi32, #tpu.memory_space<hbm>>
        tpu.enqueue_dma source(%dma_start3A_229 : memref<4x128xi32, #tpu.memory_space<hbm>>) target(%arg5 : memref<4x128xi32, #tpu.memory_space<vmem>>) target_semaphore(%run_scoped3A : memref<!tpu.dma_semaphore, #tpu.memory_space<semaphore_mem>>)
        %dma_wait3A_230 = arith.constant 0 : i32
        %dma_wait3A_231 = tpu.memref_slice %arg3[%add3A_11, %dma_wait3A_230] : memref<2560x128xi32, #tpu.memory_space<hbm>> -> memref<4x128xi32, #tpu.memory_space<hbm>>
        %dma_wait3A_232 = arith.constant 0 : i32
        %dma_wait3A_233 = tpu.memref_slice %arg3[%add3A_11, %dma_wait3A_232] : memref<2560x128xi32, #tpu.memory_space<hbm>> -> memref<4x128xi32, #tpu.memory_space<hbm>>
        tpu.wait_dma2 semaphore(%run_scoped3A : memref<!tpu.dma_semaphore, #tpu.memory_space<semaphore_mem>>) src(%dma_wait3A_233 : memref<4x128xi32, #tpu.memory_space<hbm>>) dst(%arg5 : memref<4x128xi32, #tpu.memory_space<vmem>>)
        tpu.yield
      }) : () -> ()
      %dma_start3A = arith.constant 0 : i32
      %dma_start3A_12 = arith.constant 0 : i32
      %dma_start3A_13 = arith.constant 0 : i32
      %dma_start3A_14 = arith.constant 0 : i32
      %dma_start3A_15 = tpu.memref_slice %arg6[%dma_start3A_12, %dma_start3A_13, %dma_start3A_14] : memref<4x128x48xf32, #tpu.memory_space<vmem>> -> memref<1x128x48xf32, #tpu.memory_space<vmem>>
      %dma_start3A_16 = tpu.memref_squeeze %dma_start3A_15 : memref<1x128x48xf32, #tpu.memory_space<vmem>> -> memref<128x48xf32, #tpu.memory_space<vmem>>
      %dma_start3A_17 = arith.constant 0 : i32
      %dma_start3A_18 = tpu.memref_slice %arg5[%dma_start3A, %dma_start3A_17] : memref<4x128xi32, #tpu.memory_space<vmem>> -> memref<1x128xi32, #tpu.memory_space<vmem>>
      %dma_start3A_19 = tpu.memref_squeeze %dma_start3A_18 : memref<1x128xi32, #tpu.memory_space<vmem>> -> memref<128xi32, #tpu.memory_space<vmem>>
      %dma_start3A_20 = arith.constant 0 : i32
      %dma_start3A_21 = arith.constant 0 : i32
      %dma_start3A_22 = tpu.memref_slice %arg2[%dma_start3A_20, %dma_start3A_21] : memref<16384x48xf32, #tpu.memory_space<hbm>> -> memref<16384x48xf32, #tpu.memory_space<hbm>>
      tpu.enqueue_indirect_dma source(%dma_start3A_22 : memref<16384x48xf32, #tpu.memory_space<hbm>>) target(%dma_start3A_16 : memref<128x48xf32, #tpu.memory_space<vmem>>) offsets(%dma_start3A_19 : memref<128xi32, #tpu.memory_space<vmem>>) semaphore(%arg7 : memref<!tpu.dma_semaphore, #tpu.memory_space<semaphore_mem>>)
      %dma_start3A_23 = arith.constant 1 : i32
      %dma_start3A_24 = arith.constant 1 : i32
      %dma_start3A_25 = arith.constant 0 : i32
      %dma_start3A_26 = arith.constant 0 : i32
      %dma_start3A_27 = tpu.memref_slice %arg6[%dma_start3A_24, %dma_start3A_25, %dma_start3A_26] : memref<4x128x48xf32, #tpu.memory_space<vmem>> -> memref<1x128x48xf32, #tpu.memory_space<vmem>>
      %dma_start3A_28 = tpu.memref_squeeze %dma_start3A_27 : memref<1x128x48xf32, #tpu.memory_space<vmem>> -> memref<128x48xf32, #tpu.memory_space<vmem>>
      %dma_start3A_29 = arith.constant 0 : i32
      %dma_start3A_30 = tpu.memref_slice %arg5[%dma_start3A_23, %dma_start3A_29] : memref<4x128xi32, #tpu.memory_space<vmem>> -> memref<1x128xi32, #tpu.memory_space<vmem>>
      %dma_start3A_31 = tpu.memref_squeeze %dma_start3A_30 : memref<1x128xi32, #tpu.memory_space<vmem>> -> memref<128xi32, #tpu.memory_space<vmem>>
      %dma_start3A_32 = arith.constant 0 : i32
      %dma_start3A_33 = arith.constant 0 : i32
      %dma_start3A_34 = tpu.memref_slice %arg2[%dma_start3A_32, %dma_start3A_33] : memref<16384x48xf32, #tpu.memory_space<hbm>> -> memref<16384x48xf32, #tpu.memory_space<hbm>>
      tpu.enqueue_indirect_dma source(%dma_start3A_34 : memref<16384x48xf32, #tpu.memory_space<hbm>>) target(%dma_start3A_28 : memref<128x48xf32, #tpu.memory_space<vmem>>) offsets(%dma_start3A_31 : memref<128xi32, #tpu.memory_space<vmem>>) semaphore(%arg7 : memref<!tpu.dma_semaphore, #tpu.memory_space<semaphore_mem>>)
      %dma_start3A_35 = arith.constant 2 : i32
      %dma_start3A_36 = arith.constant 2 : i32
      %dma_start3A_37 = arith.constant 0 : i32
      %dma_start3A_38 = arith.constant 0 : i32
      %dma_start3A_39 = tpu.memref_slice %arg6[%dma_start3A_36, %dma_start3A_37, %dma_start3A_38] : memref<4x128x48xf32, #tpu.memory_space<vmem>> -> memref<1x128x48xf32, #tpu.memory_space<vmem>>
      %dma_start3A_40 = tpu.memref_squeeze %dma_start3A_39 : memref<1x128x48xf32, #tpu.memory_space<vmem>> -> memref<128x48xf32, #tpu.memory_space<vmem>>
      %dma_start3A_41 = arith.constant 0 : i32
      %dma_start3A_42 = tpu.memref_slice %arg5[%dma_start3A_35, %dma_start3A_41] : memref<4x128xi32, #tpu.memory_space<vmem>> -> memref<1x128xi32, #tpu.memory_space<vmem>>
      %dma_start3A_43 = tpu.memref_squeeze %dma_start3A_42 : memref<1x128xi32, #tpu.memory_space<vmem>> -> memref<128xi32, #tpu.memory_space<vmem>>
      %dma_start3A_44 = arith.constant 0 : i32
      %dma_start3A_45 = arith.constant 0 : i32
      %dma_start3A_46 = tpu.memref_slice %arg2[%dma_start3A_44, %dma_start3A_45] : memref<16384x48xf32, #tpu.memory_space<hbm>> -> memref<16384x48xf32, #tpu.memory_space<hbm>>
      tpu.enqueue_indirect_dma source(%dma_start3A_46 : memref<16384x48xf32, #tpu.memory_space<hbm>>) target(%dma_start3A_40 : memref<128x48xf32, #tpu.memory_space<vmem>>) offsets(%dma_start3A_43 : memref<128xi32, #tpu.memory_space<vmem>>) semaphore(%arg7 : memref<!tpu.dma_semaphore, #tpu.memory_space<semaphore_mem>>)
      %dma_start3A_47 = arith.constant 3 : i32
      %dma_start3A_48 = arith.constant 3 : i32
      %dma_start3A_49 = arith.constant 0 : i32
      %dma_start3A_50 = arith.constant 0 : i32
      %dma_start3A_51 = tpu.memref_slice %arg6[%dma_start3A_48, %dma_start3A_49, %dma_start3A_50] : memref<4x128x48xf32, #tpu.memory_space<vmem>> -> memref<1x128x48xf32, #tpu.memory_space<vmem>>
      %dma_start3A_52 = tpu.memref_squeeze %dma_start3A_51 : memref<1x128x48xf32, #tpu.memory_space<vmem>> -> memref<128x48xf32, #tpu.memory_space<vmem>>
      %dma_start3A_53 = arith.constant 0 : i32
      %dma_start3A_54 = tpu.memref_slice %arg5[%dma_start3A_47, %dma_start3A_53] : memref<4x128xi32, #tpu.memory_space<vmem>> -> memref<1x128xi32, #tpu.memory_space<vmem>>
      %dma_start3A_55 = tpu.memref_squeeze %dma_start3A_54 : memref<1x128xi32, #tpu.memory_space<vmem>> -> memref<128xi32, #tpu.memory_space<vmem>>
      %dma_start3A_56 = arith.constant 0 : i32
      %dma_start3A_57 = arith.constant 0 : i32
      %dma_start3A_58 = tpu.memref_slice %arg2[%dma_start3A_56, %dma_start3A_57] : memref<16384x48xf32, #tpu.memory_space<hbm>> -> memref<16384x48xf32, #tpu.memory_space<hbm>>
      tpu.enqueue_indirect_dma source(%dma_start3A_58 : memref<16384x48xf32, #tpu.memory_space<hbm>>) target(%dma_start3A_52 : memref<128x48xf32, #tpu.memory_space<vmem>>) offsets(%dma_start3A_55 : memref<128xi32, #tpu.memory_space<vmem>>) semaphore(%arg7 : memref<!tpu.dma_semaphore, #tpu.memory_space<semaphore_mem>>)
      %dma_wait3A = arith.constant 0 : i32
      %dma_wait3A_59 = arith.constant 0 : i32
      %dma_wait3A_60 = arith.constant 0 : i32
      %dma_wait3A_61 = arith.constant 0 : i32
      %dma_wait3A_62 = tpu.memref_slice %arg6[%dma_wait3A_59, %dma_wait3A_60, %dma_wait3A_61] : memref<4x128x48xf32, #tpu.memory_space<vmem>> -> memref<1x128x48xf32, #tpu.memory_space<vmem>>
      %dma_wait3A_63 = tpu.memref_squeeze %dma_wait3A_62 : memref<1x128x48xf32, #tpu.memory_space<vmem>> -> memref<128x48xf32, #tpu.memory_space<vmem>>
      %dma_wait3A_64 = arith.constant 0 : i32
      %dma_wait3A_65 = tpu.memref_slice %arg5[%dma_wait3A, %dma_wait3A_64] : memref<4x128xi32, #tpu.memory_space<vmem>> -> memref<1x128xi32, #tpu.memory_space<vmem>>
      %dma_wait3A_66 = tpu.memref_squeeze %dma_wait3A_65 : memref<1x128xi32, #tpu.memory_space<vmem>> -> memref<128xi32, #tpu.memory_space<vmem>>
      %dma_wait3A_67 = arith.constant 0 : i32
      %dma_wait3A_68 = arith.constant 0 : i32
      %dma_wait3A_69 = tpu.memref_slice %arg2[%dma_wait3A_67, %dma_wait3A_68] : memref<16384x48xf32, #tpu.memory_space<hbm>> -> memref<16384x48xf32, #tpu.memory_space<hbm>>
      tpu.wait_indirect_dma semaphore(%arg7 : memref<!tpu.dma_semaphore, #tpu.memory_space<semaphore_mem>>) src(%dma_wait3A_69 : memref<16384x48xf32, #tpu.memory_space<hbm>>) dst(%dma_wait3A_63 : memref<128x48xf32, #tpu.memory_space<vmem>>)
      %dma_wait3A_70 = arith.constant 1 : i32
      %dma_wait3A_71 = arith.constant 1 : i32
      %dma_wait3A_72 = arith.constant 0 : i32
      %dma_wait3A_73 = arith.constant 0 : i32
      %dma_wait3A_74 = tpu.memref_slice %arg6[%dma_wait3A_71, %dma_wait3A_72, %dma_wait3A_73] : memref<4x128x48xf32, #tpu.memory_space<vmem>> -> memref<1x128x48xf32, #tpu.memory_space<vmem>>
      %dma_wait3A_75 = tpu.memref_squeeze %dma_wait3A_74 : memref<1x128x48xf32, #tpu.memory_space<vmem>> -> memref<128x48xf32, #tpu.memory_space<vmem>>
      %dma_wait3A_76 = arith.constant 0 : i32
      %dma_wait3A_77 = tpu.memref_slice %arg5[%dma_wait3A_70, %dma_wait3A_76] : memref<4x128xi32, #tpu.memory_space<vmem>> -> memref<1x128xi32, #tpu.memory_space<vmem>>
      %dma_wait3A_78 = tpu.memref_squeeze %dma_wait3A_77 : memref<1x128xi32, #tpu.memory_space<vmem>> -> memref<128xi32, #tpu.memory_space<vmem>>
      %dma_wait3A_79 = arith.constant 0 : i32
      %dma_wait3A_80 = arith.constant 0 : i32
      %dma_wait3A_81 = tpu.memref_slice %arg2[%dma_wait3A_79, %dma_wait3A_80] : memref<16384x48xf32, #tpu.memory_space<hbm>> -> memref<16384x48xf32, #tpu.memory_space<hbm>>
      tpu.wait_indirect_dma semaphore(%arg7 : memref<!tpu.dma_semaphore, #tpu.memory_space<semaphore_mem>>) src(%dma_wait3A_81 : memref<16384x48xf32, #tpu.memory_space<hbm>>) dst(%dma_wait3A_75 : memref<128x48xf32, #tpu.memory_space<vmem>>)
      %dma_wait3A_82 = arith.constant 2 : i32
      %dma_wait3A_83 = arith.constant 2 : i32
      %dma_wait3A_84 = arith.constant 0 : i32
      %dma_wait3A_85 = arith.constant 0 : i32
      %dma_wait3A_86 = tpu.memref_slice %arg6[%dma_wait3A_83, %dma_wait3A_84, %dma_wait3A_85] : memref<4x128x48xf32, #tpu.memory_space<vmem>> -> memref<1x128x48xf32, #tpu.memory_space<vmem>>
      %dma_wait3A_87 = tpu.memref_squeeze %dma_wait3A_86 : memref<1x128x48xf32, #tpu.memory_space<vmem>> -> memref<128x48xf32, #tpu.memory_space<vmem>>
      %dma_wait3A_88 = arith.constant 0 : i32
      %dma_wait3A_89 = tpu.memref_slice %arg5[%dma_wait3A_82, %dma_wait3A_88] : memref<4x128xi32, #tpu.memory_space<vmem>> -> memref<1x128xi32, #tpu.memory_space<vmem>>
      %dma_wait3A_90 = tpu.memref_squeeze %dma_wait3A_89 : memref<1x128xi32, #tpu.memory_space<vmem>> -> memref<128xi32, #tpu.memory_space<vmem>>
      %dma_wait3A_91 = arith.constant 0 : i32
      %dma_wait3A_92 = arith.constant 0 : i32
      %dma_wait3A_93 = tpu.memref_slice %arg2[%dma_wait3A_91, %dma_wait3A_92] : memref<16384x48xf32, #tpu.memory_space<hbm>> -> memref<16384x48xf32, #tpu.memory_space<hbm>>
      tpu.wait_indirect_dma semaphore(%arg7 : memref<!tpu.dma_semaphore, #tpu.memory_space<semaphore_mem>>) src(%dma_wait3A_93 : memref<16384x48xf32, #tpu.memory_space<hbm>>) dst(%dma_wait3A_87 : memref<128x48xf32, #tpu.memory_space<vmem>>)
      %dma_wait3A_94 = arith.constant 3 : i32
      %dma_wait3A_95 = arith.constant 3 : i32
      %dma_wait3A_96 = arith.constant 0 : i32
      %dma_wait3A_97 = arith.constant 0 : i32
      %dma_wait3A_98 = tpu.memref_slice %arg6[%dma_wait3A_95, %dma_wait3A_96, %dma_wait3A_97] : memref<4x128x48xf32, #tpu.memory_space<vmem>> -> memref<1x128x48xf32, #tpu.memory_space<vmem>>
      %dma_wait3A_99 = tpu.memref_squeeze %dma_wait3A_98 : memref<1x128x48xf32, #tpu.memory_space<vmem>> -> memref<128x48xf32, #tpu.memory_space<vmem>>
      %dma_wait3A_100 = arith.constant 0 : i32
      %dma_wait3A_101 = tpu.memref_slice %arg5[%dma_wait3A_94, %dma_wait3A_100] : memref<4x128xi32, #tpu.memory_space<vmem>> -> memref<1x128xi32, #tpu.memory_space<vmem>>
      %dma_wait3A_102 = tpu.memref_squeeze %dma_wait3A_101 : memref<1x128xi32, #tpu.memory_space<vmem>> -> memref<128xi32, #tpu.memory_space<vmem>>
      %dma_wait3A_103 = arith.constant 0 : i32
      %dma_wait3A_104 = arith.constant 0 : i32
      %dma_wait3A_105 = tpu.memref_slice %arg2[%dma_wait3A_103, %dma_wait3A_104] : memref<16384x48xf32, #tpu.memory_space<hbm>> -> memref<16384x48xf32, #tpu.memory_space<hbm>>
      tpu.wait_indirect_dma semaphore(%arg7 : memref<!tpu.dma_semaphore, #tpu.memory_space<semaphore_mem>>) src(%dma_wait3A_105 : memref<16384x48xf32, #tpu.memory_space<hbm>>) dst(%dma_wait3A_99 : memref<128x48xf32, #tpu.memory_space<vmem>>)
      %add3A_106 = arith.constant 0 : i32
      %add3A_107 = arith.addi %add3A_11, %add3A_106 : i32
      %mul3A_108 = arith.constant 128 : i32
      %mul3A_109 = arith.muli %add3A_107, %mul3A_108 : i32
      %dma_start3A_110 = arith.constant 0 : i32
      %dma_start3A_111 = arith.constant 0 : i32
      %dma_start3A_112 = arith.constant 0 : i32
      %dma_start3A_113 = tpu.memref_slice %arg6[%dma_start3A_110, %dma_start3A_111, %dma_start3A_112] : memref<4x128x48xf32, #tpu.memory_space<vmem>> -> memref<1x128x48xf32, #tpu.memory_space<vmem>>
      %dma_start3A_114 = tpu.memref_squeeze %dma_start3A_113 : memref<1x128x48xf32, #tpu.memory_space<vmem>> -> memref<128x48xf32, #tpu.memory_space<vmem>>
      %dma_start3A_115 = arith.constant 0 : i32
      %dma_start3A_116 = tpu.memref_slice %arg4[%mul3A_109, %dma_start3A_115] : memref<327680x48xf32, #tpu.memory_space<hbm>> -> memref<128x48xf32, #tpu.memory_space<hbm>>
      %dma_start3A_117 = arith.constant 0 : i32
      %dma_start3A_118 = tpu.memref_slice %arg4[%mul3A_109, %dma_start3A_117] : memref<327680x48xf32, #tpu.memory_space<hbm>> -> memref<128x48xf32, #tpu.memory_space<hbm>>
      %dma_start3A_119 = arith.constant 0 : i32
      %dma_start3A_120 = arith.constant 0 : i32
      %dma_start3A_121 = tpu.memref_slice %arg6[%dma_start3A_110, %dma_start3A_119, %dma_start3A_120] : memref<4x128x48xf32, #tpu.memory_space<vmem>> -> memref<1x128x48xf32, #tpu.memory_space<vmem>>
      %dma_start3A_122 = tpu.memref_squeeze %dma_start3A_121 : memref<1x128x48xf32, #tpu.memory_space<vmem>> -> memref<128x48xf32, #tpu.memory_space<vmem>>
      tpu.enqueue_dma source(%dma_start3A_122 : memref<128x48xf32, #tpu.memory_space<vmem>>) target(%dma_start3A_118 : memref<128x48xf32, #tpu.memory_space<hbm>>) target_semaphore(%arg8 : memref<!tpu.dma_semaphore, #tpu.memory_space<semaphore_mem>>)
      %add3A_123 = arith.constant 1 : i32
      %add3A_124 = arith.addi %add3A_11, %add3A_123 : i32
      %mul3A_125 = arith.constant 128 : i32
      %mul3A_126 = arith.muli %add3A_124, %mul3A_125 : i32
      %dma_start3A_127 = arith.constant 1 : i32
      %dma_start3A_128 = arith.constant 0 : i32
      %dma_start3A_129 = arith.constant 0 : i32
      %dma_start3A_130 = tpu.memref_slice %arg6[%dma_start3A_127, %dma_start3A_128, %dma_start3A_129] : memref<4x128x48xf32, #tpu.memory_space<vmem>> -> memref<1x128x48xf32, #tpu.memory_space<vmem>>
      %dma_start3A_131 = tpu.memref_squeeze %dma_start3A_130 : memref<1x128x48xf32, #tpu.memory_space<vmem>> -> memref<128x48xf32, #tpu.memory_space<vmem>>
      %dma_start3A_132 = arith.constant 0 : i32
      %dma_start3A_133 = tpu.memref_slice %arg4[%mul3A_126, %dma_start3A_132] : memref<327680x48xf32, #tpu.memory_space<hbm>> -> memref<128x48xf32, #tpu.memory_space<hbm>>
      %dma_start3A_134 = arith.constant 0 : i32
      %dma_start3A_135 = tpu.memref_slice %arg4[%mul3A_126, %dma_start3A_134] : memref<327680x48xf32, #tpu.memory_space<hbm>> -> memref<128x48xf32, #tpu.memory_space<hbm>>
      %dma_start3A_136 = arith.constant 0 : i32
      %dma_start3A_137 = arith.constant 0 : i32
      %dma_start3A_138 = tpu.memref_slice %arg6[%dma_start3A_127, %dma_start3A_136, %dma_start3A_137] : memref<4x128x48xf32, #tpu.memory_space<vmem>> -> memref<1x128x48xf32, #tpu.memory_space<vmem>>
      %dma_start3A_139 = tpu.memref_squeeze %dma_start3A_138 : memref<1x128x48xf32, #tpu.memory_space<vmem>> -> memref<128x48xf32, #tpu.memory_space<vmem>>
      tpu.enqueue_dma source(%dma_start3A_139 : memref<128x48xf32, #tpu.memory_space<vmem>>) target(%dma_start3A_135 : memref<128x48xf32, #tpu.memory_space<hbm>>) target_semaphore(%arg8 : memref<!tpu.dma_semaphore, #tpu.memory_space<semaphore_mem>>)
      %add3A_140 = arith.constant 2 : i32
      %add3A_141 = arith.addi %add3A_11, %add3A_140 : i32
      %mul3A_142 = arith.constant 128 : i32
      %mul3A_143 = arith.muli %add3A_141, %mul3A_142 : i32
      %dma_start3A_144 = arith.constant 2 : i32
      %dma_start3A_145 = arith.constant 0 : i32
      %dma_start3A_146 = arith.constant 0 : i32
      %dma_start3A_147 = tpu.memref_slice %arg6[%dma_start3A_144, %dma_start3A_145, %dma_start3A_146] : memref<4x128x48xf32, #tpu.memory_space<vmem>> -> memref<1x128x48xf32, #tpu.memory_space<vmem>>
      %dma_start3A_148 = tpu.memref_squeeze %dma_start3A_147 : memref<1x128x48xf32, #tpu.memory_space<vmem>> -> memref<128x48xf32, #tpu.memory_space<vmem>>
      %dma_start3A_149 = arith.constant 0 : i32
      %dma_start3A_150 = tpu.memref_slice %arg4[%mul3A_143, %dma_start3A_149] : memref<327680x48xf32, #tpu.memory_space<hbm>> -> memref<128x48xf32, #tpu.memory_space<hbm>>
      %dma_start3A_151 = arith.constant 0 : i32
      %dma_start3A_152 = tpu.memref_slice %arg4[%mul3A_143, %dma_start3A_151] : memref<327680x48xf32, #tpu.memory_space<hbm>> -> memref<128x48xf32, #tpu.memory_space<hbm>>
      %dma_start3A_153 = arith.constant 0 : i32
      %dma_start3A_154 = arith.constant 0 : i32
      %dma_start3A_155 = tpu.memref_slice %arg6[%dma_start3A_144, %dma_start3A_153, %dma_start3A_154] : memref<4x128x48xf32, #tpu.memory_space<vmem>> -> memref<1x128x48xf32, #tpu.memory_space<vmem>>
      %dma_start3A_156 = tpu.memref_squeeze %dma_start3A_155 : memref<1x128x48xf32, #tpu.memory_space<vmem>> -> memref<128x48xf32, #tpu.memory_space<vmem>>
      tpu.enqueue_dma source(%dma_start3A_156 : memref<128x48xf32, #tpu.memory_space<vmem>>) target(%dma_start3A_152 : memref<128x48xf32, #tpu.memory_space<hbm>>) target_semaphore(%arg8 : memref<!tpu.dma_semaphore, #tpu.memory_space<semaphore_mem>>)
      %add3A_157 = arith.constant 3 : i32
      %add3A_158 = arith.addi %add3A_11, %add3A_157 : i32
      %mul3A_159 = arith.constant 128 : i32
      %mul3A_160 = arith.muli %add3A_158, %mul3A_159 : i32
      %dma_start3A_161 = arith.constant 3 : i32
      %dma_start3A_162 = arith.constant 0 : i32
      %dma_start3A_163 = arith.constant 0 : i32
      %dma_start3A_164 = tpu.memref_slice %arg6[%dma_start3A_161, %dma_start3A_162, %dma_start3A_163] : memref<4x128x48xf32, #tpu.memory_space<vmem>> -> memref<1x128x48xf32, #tpu.memory_space<vmem>>
      %dma_start3A_165 = tpu.memref_squeeze %dma_start3A_164 : memref<1x128x48xf32, #tpu.memory_space<vmem>> -> memref<128x48xf32, #tpu.memory_space<vmem>>
      %dma_start3A_166 = arith.constant 0 : i32
      %dma_start3A_167 = tpu.memref_slice %arg4[%mul3A_160, %dma_start3A_166] : memref<327680x48xf32, #tpu.memory_space<hbm>> -> memref<128x48xf32, #tpu.memory_space<hbm>>
      %dma_start3A_168 = arith.constant 0 : i32
      %dma_start3A_169 = tpu.memref_slice %arg4[%mul3A_160, %dma_start3A_168] : memref<327680x48xf32, #tpu.memory_space<hbm>> -> memref<128x48xf32, #tpu.memory_space<hbm>>
      %dma_start3A_170 = arith.constant 0 : i32
      %dma_start3A_171 = arith.constant 0 : i32
      %dma_start3A_172 = tpu.memref_slice %arg6[%dma_start3A_161, %dma_start3A_170, %dma_start3A_171] : memref<4x128x48xf32, #tpu.memory_space<vmem>> -> memref<1x128x48xf32, #tpu.memory_space<vmem>>
      %dma_start3A_173 = tpu.memref_squeeze %dma_start3A_172 : memref<1x128x48xf32, #tpu.memory_space<vmem>> -> memref<128x48xf32, #tpu.memory_space<vmem>>
      tpu.enqueue_dma source(%dma_start3A_173 : memref<128x48xf32, #tpu.memory_space<vmem>>) target(%dma_start3A_169 : memref<128x48xf32, #tpu.memory_space<hbm>>) target_semaphore(%arg8 : memref<!tpu.dma_semaphore, #tpu.memory_space<semaphore_mem>>)
      %dma_wait3A_174 = arith.constant 0 : i32
      %dma_wait3A_175 = arith.constant 0 : i32
      %dma_wait3A_176 = arith.constant 0 : i32
      %dma_wait3A_177 = tpu.memref_slice %arg6[%dma_wait3A_174, %dma_wait3A_175, %dma_wait3A_176] : memref<4x128x48xf32, #tpu.memory_space<vmem>> -> memref<1x128x48xf32, #tpu.memory_space<vmem>>
      %dma_wait3A_178 = tpu.memref_squeeze %dma_wait3A_177 : memref<1x128x48xf32, #tpu.memory_space<vmem>> -> memref<128x48xf32, #tpu.memory_space<vmem>>
      %dma_wait3A_179 = arith.constant 0 : i32
      %dma_wait3A_180 = tpu.memref_slice %arg4[%mul3A_109, %dma_wait3A_179] : memref<327680x48xf32, #tpu.memory_space<hbm>> -> memref<128x48xf32, #tpu.memory_space<hbm>>
      %dma_wait3A_181 = arith.constant 0 : i32
      %dma_wait3A_182 = tpu.memref_slice %arg4[%mul3A_109, %dma_wait3A_181] : memref<327680x48xf32, #tpu.memory_space<hbm>> -> memref<128x48xf32, #tpu.memory_space<hbm>>
      %dma_wait3A_183 = arith.constant 0 : i32
      %dma_wait3A_184 = arith.constant 0 : i32
      %dma_wait3A_185 = tpu.memref_slice %arg6[%dma_wait3A_174, %dma_wait3A_183, %dma_wait3A_184] : memref<4x128x48xf32, #tpu.memory_space<vmem>> -> memref<1x128x48xf32, #tpu.memory_space<vmem>>
      %dma_wait3A_186 = tpu.memref_squeeze %dma_wait3A_185 : memref<1x128x48xf32, #tpu.memory_space<vmem>> -> memref<128x48xf32, #tpu.memory_space<vmem>>
      tpu.wait_dma2 semaphore(%arg8 : memref<!tpu.dma_semaphore, #tpu.memory_space<semaphore_mem>>) src(%dma_wait3A_186 : memref<128x48xf32, #tpu.memory_space<vmem>>) dst(%dma_wait3A_182 : memref<128x48xf32, #tpu.memory_space<hbm>>)
      %dma_wait3A_187 = arith.constant 1 : i32
      %dma_wait3A_188 = arith.constant 0 : i32
      %dma_wait3A_189 = arith.constant 0 : i32
      %dma_wait3A_190 = tpu.memref_slice %arg6[%dma_wait3A_187, %dma_wait3A_188, %dma_wait3A_189] : memref<4x128x48xf32, #tpu.memory_space<vmem>> -> memref<1x128x48xf32, #tpu.memory_space<vmem>>
      %dma_wait3A_191 = tpu.memref_squeeze %dma_wait3A_190 : memref<1x128x48xf32, #tpu.memory_space<vmem>> -> memref<128x48xf32, #tpu.memory_space<vmem>>
      %dma_wait3A_192 = arith.constant 0 : i32
      %dma_wait3A_193 = tpu.memref_slice %arg4[%mul3A_126, %dma_wait3A_192] : memref<327680x48xf32, #tpu.memory_space<hbm>> -> memref<128x48xf32, #tpu.memory_space<hbm>>
      %dma_wait3A_194 = arith.constant 0 : i32
      %dma_wait3A_195 = tpu.memref_slice %arg4[%mul3A_126, %dma_wait3A_194] : memref<327680x48xf32, #tpu.memory_space<hbm>> -> memref<128x48xf32, #tpu.memory_space<hbm>>
      %dma_wait3A_196 = arith.constant 0 : i32
      %dma_wait3A_197 = arith.constant 0 : i32
      %dma_wait3A_198 = tpu.memref_slice %arg6[%dma_wait3A_187, %dma_wait3A_196, %dma_wait3A_197] : memref<4x128x48xf32, #tpu.memory_space<vmem>> -> memref<1x128x48xf32, #tpu.memory_space<vmem>>
      %dma_wait3A_199 = tpu.memref_squeeze %dma_wait3A_198 : memref<1x128x48xf32, #tpu.memory_space<vmem>> -> memref<128x48xf32, #tpu.memory_space<vmem>>
      tpu.wait_dma2 semaphore(%arg8 : memref<!tpu.dma_semaphore, #tpu.memory_space<semaphore_mem>>) src(%dma_wait3A_199 : memref<128x48xf32, #tpu.memory_space<vmem>>) dst(%dma_wait3A_195 : memref<128x48xf32, #tpu.memory_space<hbm>>)
      %dma_wait3A_200 = arith.constant 2 : i32
      %dma_wait3A_201 = arith.constant 0 : i32
      %dma_wait3A_202 = arith.constant 0 : i32
      %dma_wait3A_203 = tpu.memref_slice %arg6[%dma_wait3A_200, %dma_wait3A_201, %dma_wait3A_202] : memref<4x128x48xf32, #tpu.memory_space<vmem>> -> memref<1x128x48xf32, #tpu.memory_space<vmem>>
      %dma_wait3A_204 = tpu.memref_squeeze %dma_wait3A_203 : memref<1x128x48xf32, #tpu.memory_space<vmem>> -> memref<128x48xf32, #tpu.memory_space<vmem>>
      %dma_wait3A_205 = arith.constant 0 : i32
      %dma_wait3A_206 = tpu.memref_slice %arg4[%mul3A_143, %dma_wait3A_205] : memref<327680x48xf32, #tpu.memory_space<hbm>> -> memref<128x48xf32, #tpu.memory_space<hbm>>
      %dma_wait3A_207 = arith.constant 0 : i32
      %dma_wait3A_208 = tpu.memref_slice %arg4[%mul3A_143, %dma_wait3A_207] : memref<327680x48xf32, #tpu.memory_space<hbm>> -> memref<128x48xf32, #tpu.memory_space<hbm>>
      %dma_wait3A_209 = arith.constant 0 : i32
      %dma_wait3A_210 = arith.constant 0 : i32
      %dma_wait3A_211 = tpu.memref_slice %arg6[%dma_wait3A_200, %dma_wait3A_209, %dma_wait3A_210] : memref<4x128x48xf32, #tpu.memory_space<vmem>> -> memref<1x128x48xf32, #tpu.memory_space<vmem>>
      %dma_wait3A_212 = tpu.memref_squeeze %dma_wait3A_211 : memref<1x128x48xf32, #tpu.memory_space<vmem>> -> memref<128x48xf32, #tpu.memory_space<vmem>>
      tpu.wait_dma2 semaphore(%arg8 : memref<!tpu.dma_semaphore, #tpu.memory_space<semaphore_mem>>) src(%dma_wait3A_212 : memref<128x48xf32, #tpu.memory_space<vmem>>) dst(%dma_wait3A_208 : memref<128x48xf32, #tpu.memory_space<hbm>>)
      %dma_wait3A_213 = arith.constant 3 : i32
      %dma_wait3A_214 = arith.constant 0 : i32
      %dma_wait3A_215 = arith.constant 0 : i32
      %dma_wait3A_216 = tpu.memref_slice %arg6[%dma_wait3A_213, %dma_wait3A_214, %dma_wait3A_215] : memref<4x128x48xf32, #tpu.memory_space<vmem>> -> memref<1x128x48xf32, #tpu.memory_space<vmem>>
      %dma_wait3A_217 = tpu.memref_squeeze %dma_wait3A_216 : memref<1x128x48xf32, #tpu.memory_space<vmem>> -> memref<128x48xf32, #tpu.memory_space<vmem>>
      %dma_wait3A_218 = arith.constant 0 : i32
      %dma_wait3A_219 = tpu.memref_slice %arg4[%mul3A_160, %dma_wait3A_218] : memref<327680x48xf32, #tpu.memory_space<hbm>> -> memref<128x48xf32, #tpu.memory_space<hbm>>
      %dma_wait3A_220 = arith.constant 0 : i32
      %dma_wait3A_221 = tpu.memref_slice %arg4[%mul3A_160, %dma_wait3A_220] : memref<327680x48xf32, #tpu.memory_space<hbm>> -> memref<128x48xf32, #tpu.memory_space<hbm>>
      %dma_wait3A_222 = arith.constant 0 : i32
      %dma_wait3A_223 = arith.constant 0 : i32
      %dma_wait3A_224 = tpu.memref_slice %arg6[%dma_wait3A_213, %dma_wait3A_222, %dma_wait3A_223] : memref<4x128x48xf32, #tpu.memory_space<vmem>> -> memref<1x128x48xf32, #tpu.memory_space<vmem>>
      %dma_wait3A_225 = tpu.memref_squeeze %dma_wait3A_224 : memref<1x128x48xf32, #tpu.memory_space<vmem>> -> memref<128x48xf32, #tpu.memory_space<vmem>>
      tpu.wait_dma2 semaphore(%arg8 : memref<!tpu.dma_semaphore, #tpu.memory_space<semaphore_mem>>) src(%dma_wait3A_225 : memref<128x48xf32, #tpu.memory_space<vmem>>) dst(%dma_wait3A_221 : memref<128x48xf32, #tpu.memory_space<hbm>>)
    }
    %scan3A_7 = arith.constant 20 : i32
    return
  }
}

module attributes {stable_mosaic.version = 14 : i64} {
  func.func @_knn_body(%arg0: i32, %arg1: i32, %arg2: memref<1x256x8xf32, #tpu.memory_space<vmem>>, %arg3: memref<1x8x4096xf32, #tpu.memory_space<vmem>>, %arg4: memref<1x256x1xf32, #tpu.memory_space<vmem>>, %arg5: memref<1x1x4096xf32, #tpu.memory_space<vmem>>, %arg6: memref<20x256xi32, #tpu.memory_space<vmem>>) attributes {dimension_semantics = [#tpu.dimension_semantics<arbitrary>, #tpu.dimension_semantics<arbitrary>], iteration_bounds = array<i64: 4, 16>, scalar_prefetch = 0 : i64, scratch_operands = 0 : i64, tpu.core_type = #tpu.core_type<tc>, window_params = [{transform_indices = @transform_0, window_bounds = array<i64: 1, 256, 8>}, {transform_indices = @transform_1, window_bounds = array<i64: 1, 8, 4096>}, {transform_indices = @transform_2, window_bounds = array<i64: 1, 256, 1>}, {transform_indices = @transform_3, window_bounds = array<i64: 1, 1, 4096>}, {transform_indices = @transform_4, window_bounds = array<i64: 20, 256>}]} {
    %get3A = arith.constant 0 : index
    %get3A_0 = arith.constant 0 : index
    %get3A_1 = arith.constant 0 : index
    %get3A_2 = vector.load %arg2[%get3A, %get3A_0, %get3A_1] : memref<1x256x8xf32, #tpu.memory_space<vmem>>, vector<1x256x8xf32>
    %get3A_3 = vector.shape_cast %get3A_2 : vector<1x256x8xf32> to vector<256x8xf32>
    %get3A_4 = arith.constant 0 : index
    %get3A_5 = arith.constant 0 : index
    %get3A_6 = arith.constant 0 : index
    %get3A_7 = vector.load %arg3[%get3A_4, %get3A_5, %get3A_6] : memref<1x8x4096xf32, #tpu.memory_space<vmem>>, vector<1x8x4096xf32>
    %get3A_8 = vector.shape_cast %get3A_7 : vector<1x8x4096xf32> to vector<8x4096xf32>
    %dot_general3A = arith.constant dense<0.000000e+00> : vector<256x4096xf32>
    %dot_general3A_9 = tpu.matmul %get3A_3, %get3A_8, %dot_general3A {dimension_numbers = #tpu.dot_dimension_numbers<[1], [0], [0], [1], [0, 0, 1, 1], [], []>, transpose_lhs_hint = false} : vector<256x8xf32>, vector<8x4096xf32>, vector<256x4096xf32> -> vector<256x4096xf32>
    %get3A_10 = arith.constant 0 : index
    %get3A_11 = arith.constant 0 : index
    %get3A_12 = arith.constant 0 : index
    %get3A_13 = vector.load %arg4[%get3A_10, %get3A_11, %get3A_12] : memref<1x256x1xf32, #tpu.memory_space<vmem>>, vector<1x256x1xf32>
    %get3A_14 = vector.shape_cast %get3A_13 : vector<1x256x1xf32> to vector<256x1xf32>
    %get3A_15 = arith.constant 0 : index
    %get3A_16 = arith.constant 0 : index
    %get3A_17 = arith.constant 0 : index
    %get3A_18 = vector.load %arg5[%get3A_15, %get3A_16, %get3A_17] : memref<1x1x4096xf32, #tpu.memory_space<vmem>>, vector<1x1x4096xf32>
    %get3A_19 = vector.shape_cast %get3A_18 : vector<1x1x4096xf32> to vector<1x4096xf32>
    %add3A = vector.broadcast %get3A_14 : vector<256x1xf32> to vector<256x4096xf32>
    %add3A_20 = vector.broadcast %get3A_19 : vector<1x4096xf32> to vector<256x4096xf32>
    %add3A_21 = arith.addf %add3A, %add3A_20 : vector<256x4096xf32>
    %mul3A = arith.constant 2.000000e+00 : f32
    %mul3A_22 = vector.broadcast %mul3A : f32 to vector<256x4096xf32>
    %mul3A_23 = arith.mulf %mul3A_22, %dot_general3A_9 : vector<256x4096xf32>
    %sub3A = arith.subf %add3A_21, %mul3A_23 : vector<256x4096xf32>
    %iota3A = tpu.iota {dimensions = array<i32: 1>} : vector<256x4096xi32>
    %argmin3A = tpu.reduce_index %sub3A {axis = 1 : i32, kind = #tpu.reduction_kind<arg_min>} : vector<256x4096xf32> -> vector<256xi32>
    %broadcast_in_dim3A = vector.shape_cast %argmin3A : vector<256xi32> to vector<256x1xi32>
    %eq3A = vector.broadcast %broadcast_in_dim3A : vector<256x1xi32> to vector<256x4096xi32>
    %eq3A_24 = arith.cmpi eq, %iota3A, %eq3A : vector<256x4096xi32>
    %jit3A = arith.constant 0x7F800000 : f32
    %broadcast_in_dim3A_25 = vector.broadcast %jit3A : f32 to vector<256x4096xf32>
    %select_n3A = arith.select %eq3A_24, %broadcast_in_dim3A_25, %sub3A : vector<256x4096xi1>, vector<256x4096xf32>
    %argmin3A_26 = tpu.reduce_index %select_n3A {axis = 1 : i32, kind = #tpu.reduction_kind<arg_min>} : vector<256x4096xf32> -> vector<256xi32>
    %broadcast_in_dim3A_27 = vector.shape_cast %argmin3A_26 : vector<256xi32> to vector<256x1xi32>
    %eq3A_28 = vector.broadcast %broadcast_in_dim3A_27 : vector<256x1xi32> to vector<256x4096xi32>
    %eq3A_29 = arith.cmpi eq, %iota3A, %eq3A_28 : vector<256x4096xi32>
    %jit3A_30 = arith.constant 0x7F800000 : f32
    %broadcast_in_dim3A_31 = vector.broadcast %jit3A_30 : f32 to vector<256x4096xf32>
    %select_n3A_32 = arith.select %eq3A_29, %broadcast_in_dim3A_31, %select_n3A : vector<256x4096xi1>, vector<256x4096xf32>
    %argmin3A_33 = tpu.reduce_index %select_n3A_32 {axis = 1 : i32, kind = #tpu.reduction_kind<arg_min>} : vector<256x4096xf32> -> vector<256xi32>
    %broadcast_in_dim3A_34 = vector.shape_cast %argmin3A_33 : vector<256xi32> to vector<256x1xi32>
    %eq3A_35 = vector.broadcast %broadcast_in_dim3A_34 : vector<256x1xi32> to vector<256x4096xi32>
    %eq3A_36 = arith.cmpi eq, %iota3A, %eq3A_35 : vector<256x4096xi32>
    %jit3A_37 = arith.constant 0x7F800000 : f32
    %broadcast_in_dim3A_38 = vector.broadcast %jit3A_37 : f32 to vector<256x4096xf32>
    %select_n3A_39 = arith.select %eq3A_36, %broadcast_in_dim3A_38, %select_n3A_32 : vector<256x4096xi1>, vector<256x4096xf32>
    %argmin3A_40 = tpu.reduce_index %select_n3A_39 {axis = 1 : i32, kind = #tpu.reduction_kind<arg_min>} : vector<256x4096xf32> -> vector<256xi32>
    %broadcast_in_dim3A_41 = vector.shape_cast %argmin3A_40 : vector<256xi32> to vector<256x1xi32>
    %eq3A_42 = vector.broadcast %broadcast_in_dim3A_41 : vector<256x1xi32> to vector<256x4096xi32>
    %eq3A_43 = arith.cmpi eq, %iota3A, %eq3A_42 : vector<256x4096xi32>
    %jit3A_44 = arith.constant 0x7F800000 : f32
    %broadcast_in_dim3A_45 = vector.broadcast %jit3A_44 : f32 to vector<256x4096xf32>
    %select_n3A_46 = arith.select %eq3A_43, %broadcast_in_dim3A_45, %select_n3A_39 : vector<256x4096xi1>, vector<256x4096xf32>
    %argmin3A_47 = tpu.reduce_index %select_n3A_46 {axis = 1 : i32, kind = #tpu.reduction_kind<arg_min>} : vector<256x4096xf32> -> vector<256xi32>
    %broadcast_in_dim3A_48 = vector.shape_cast %argmin3A_47 : vector<256xi32> to vector<256x1xi32>
    %eq3A_49 = vector.broadcast %broadcast_in_dim3A_48 : vector<256x1xi32> to vector<256x4096xi32>
    %eq3A_50 = arith.cmpi eq, %iota3A, %eq3A_49 : vector<256x4096xi32>
    %jit3A_51 = arith.constant 0x7F800000 : f32
    %broadcast_in_dim3A_52 = vector.broadcast %jit3A_51 : f32 to vector<256x4096xf32>
    %select_n3A_53 = arith.select %eq3A_50, %broadcast_in_dim3A_52, %select_n3A_46 : vector<256x4096xi1>, vector<256x4096xf32>
    %argmin3A_54 = tpu.reduce_index %select_n3A_53 {axis = 1 : i32, kind = #tpu.reduction_kind<arg_min>} : vector<256x4096xf32> -> vector<256xi32>
    %broadcast_in_dim3A_55 = vector.shape_cast %argmin3A_54 : vector<256xi32> to vector<256x1xi32>
    %eq3A_56 = vector.broadcast %broadcast_in_dim3A_55 : vector<256x1xi32> to vector<256x4096xi32>
    %eq3A_57 = arith.cmpi eq, %iota3A, %eq3A_56 : vector<256x4096xi32>
    %jit3A_58 = arith.constant 0x7F800000 : f32
    %broadcast_in_dim3A_59 = vector.broadcast %jit3A_58 : f32 to vector<256x4096xf32>
    %select_n3A_60 = arith.select %eq3A_57, %broadcast_in_dim3A_59, %select_n3A_53 : vector<256x4096xi1>, vector<256x4096xf32>
    %argmin3A_61 = tpu.reduce_index %select_n3A_60 {axis = 1 : i32, kind = #tpu.reduction_kind<arg_min>} : vector<256x4096xf32> -> vector<256xi32>
    %broadcast_in_dim3A_62 = vector.shape_cast %argmin3A_61 : vector<256xi32> to vector<256x1xi32>
    %eq3A_63 = vector.broadcast %broadcast_in_dim3A_62 : vector<256x1xi32> to vector<256x4096xi32>
    %eq3A_64 = arith.cmpi eq, %iota3A, %eq3A_63 : vector<256x4096xi32>
    %jit3A_65 = arith.constant 0x7F800000 : f32
    %broadcast_in_dim3A_66 = vector.broadcast %jit3A_65 : f32 to vector<256x4096xf32>
    %select_n3A_67 = arith.select %eq3A_64, %broadcast_in_dim3A_66, %select_n3A_60 : vector<256x4096xi1>, vector<256x4096xf32>
    %argmin3A_68 = tpu.reduce_index %select_n3A_67 {axis = 1 : i32, kind = #tpu.reduction_kind<arg_min>} : vector<256x4096xf32> -> vector<256xi32>
    %broadcast_in_dim3A_69 = vector.shape_cast %argmin3A_68 : vector<256xi32> to vector<256x1xi32>
    %eq3A_70 = vector.broadcast %broadcast_in_dim3A_69 : vector<256x1xi32> to vector<256x4096xi32>
    %eq3A_71 = arith.cmpi eq, %iota3A, %eq3A_70 : vector<256x4096xi32>
    %jit3A_72 = arith.constant 0x7F800000 : f32
    %broadcast_in_dim3A_73 = vector.broadcast %jit3A_72 : f32 to vector<256x4096xf32>
    %select_n3A_74 = arith.select %eq3A_71, %broadcast_in_dim3A_73, %select_n3A_67 : vector<256x4096xi1>, vector<256x4096xf32>
    %argmin3A_75 = tpu.reduce_index %select_n3A_74 {axis = 1 : i32, kind = #tpu.reduction_kind<arg_min>} : vector<256x4096xf32> -> vector<256xi32>
    %broadcast_in_dim3A_76 = vector.shape_cast %argmin3A_75 : vector<256xi32> to vector<256x1xi32>
    %eq3A_77 = vector.broadcast %broadcast_in_dim3A_76 : vector<256x1xi32> to vector<256x4096xi32>
    %eq3A_78 = arith.cmpi eq, %iota3A, %eq3A_77 : vector<256x4096xi32>
    %jit3A_79 = arith.constant 0x7F800000 : f32
    %broadcast_in_dim3A_80 = vector.broadcast %jit3A_79 : f32 to vector<256x4096xf32>
    %select_n3A_81 = arith.select %eq3A_78, %broadcast_in_dim3A_80, %select_n3A_74 : vector<256x4096xi1>, vector<256x4096xf32>
    %argmin3A_82 = tpu.reduce_index %select_n3A_81 {axis = 1 : i32, kind = #tpu.reduction_kind<arg_min>} : vector<256x4096xf32> -> vector<256xi32>
    %broadcast_in_dim3A_83 = vector.shape_cast %argmin3A_82 : vector<256xi32> to vector<256x1xi32>
    %eq3A_84 = vector.broadcast %broadcast_in_dim3A_83 : vector<256x1xi32> to vector<256x4096xi32>
    %eq3A_85 = arith.cmpi eq, %iota3A, %eq3A_84 : vector<256x4096xi32>
    %jit3A_86 = arith.constant 0x7F800000 : f32
    %broadcast_in_dim3A_87 = vector.broadcast %jit3A_86 : f32 to vector<256x4096xf32>
    %select_n3A_88 = arith.select %eq3A_85, %broadcast_in_dim3A_87, %select_n3A_81 : vector<256x4096xi1>, vector<256x4096xf32>
    %argmin3A_89 = tpu.reduce_index %select_n3A_88 {axis = 1 : i32, kind = #tpu.reduction_kind<arg_min>} : vector<256x4096xf32> -> vector<256xi32>
    %broadcast_in_dim3A_90 = vector.shape_cast %argmin3A_89 : vector<256xi32> to vector<256x1xi32>
    %eq3A_91 = vector.broadcast %broadcast_in_dim3A_90 : vector<256x1xi32> to vector<256x4096xi32>
    %eq3A_92 = arith.cmpi eq, %iota3A, %eq3A_91 : vector<256x4096xi32>
    %jit3A_93 = arith.constant 0x7F800000 : f32
    %broadcast_in_dim3A_94 = vector.broadcast %jit3A_93 : f32 to vector<256x4096xf32>
    %select_n3A_95 = arith.select %eq3A_92, %broadcast_in_dim3A_94, %select_n3A_88 : vector<256x4096xi1>, vector<256x4096xf32>
    %argmin3A_96 = tpu.reduce_index %select_n3A_95 {axis = 1 : i32, kind = #tpu.reduction_kind<arg_min>} : vector<256x4096xf32> -> vector<256xi32>
    %broadcast_in_dim3A_97 = vector.shape_cast %argmin3A_96 : vector<256xi32> to vector<256x1xi32>
    %eq3A_98 = vector.broadcast %broadcast_in_dim3A_97 : vector<256x1xi32> to vector<256x4096xi32>
    %eq3A_99 = arith.cmpi eq, %iota3A, %eq3A_98 : vector<256x4096xi32>
    %jit3A_100 = arith.constant 0x7F800000 : f32
    %broadcast_in_dim3A_101 = vector.broadcast %jit3A_100 : f32 to vector<256x4096xf32>
    %select_n3A_102 = arith.select %eq3A_99, %broadcast_in_dim3A_101, %select_n3A_95 : vector<256x4096xi1>, vector<256x4096xf32>
    %argmin3A_103 = tpu.reduce_index %select_n3A_102 {axis = 1 : i32, kind = #tpu.reduction_kind<arg_min>} : vector<256x4096xf32> -> vector<256xi32>
    %broadcast_in_dim3A_104 = vector.shape_cast %argmin3A_103 : vector<256xi32> to vector<256x1xi32>
    %eq3A_105 = vector.broadcast %broadcast_in_dim3A_104 : vector<256x1xi32> to vector<256x4096xi32>
    %eq3A_106 = arith.cmpi eq, %iota3A, %eq3A_105 : vector<256x4096xi32>
    %jit3A_107 = arith.constant 0x7F800000 : f32
    %broadcast_in_dim3A_108 = vector.broadcast %jit3A_107 : f32 to vector<256x4096xf32>
    %select_n3A_109 = arith.select %eq3A_106, %broadcast_in_dim3A_108, %select_n3A_102 : vector<256x4096xi1>, vector<256x4096xf32>
    %argmin3A_110 = tpu.reduce_index %select_n3A_109 {axis = 1 : i32, kind = #tpu.reduction_kind<arg_min>} : vector<256x4096xf32> -> vector<256xi32>
    %broadcast_in_dim3A_111 = vector.shape_cast %argmin3A_110 : vector<256xi32> to vector<256x1xi32>
    %eq3A_112 = vector.broadcast %broadcast_in_dim3A_111 : vector<256x1xi32> to vector<256x4096xi32>
    %eq3A_113 = arith.cmpi eq, %iota3A, %eq3A_112 : vector<256x4096xi32>
    %jit3A_114 = arith.constant 0x7F800000 : f32
    %broadcast_in_dim3A_115 = vector.broadcast %jit3A_114 : f32 to vector<256x4096xf32>
    %select_n3A_116 = arith.select %eq3A_113, %broadcast_in_dim3A_115, %select_n3A_109 : vector<256x4096xi1>, vector<256x4096xf32>
    %argmin3A_117 = tpu.reduce_index %select_n3A_116 {axis = 1 : i32, kind = #tpu.reduction_kind<arg_min>} : vector<256x4096xf32> -> vector<256xi32>
    %broadcast_in_dim3A_118 = vector.shape_cast %argmin3A_117 : vector<256xi32> to vector<256x1xi32>
    %eq3A_119 = vector.broadcast %broadcast_in_dim3A_118 : vector<256x1xi32> to vector<256x4096xi32>
    %eq3A_120 = arith.cmpi eq, %iota3A, %eq3A_119 : vector<256x4096xi32>
    %jit3A_121 = arith.constant 0x7F800000 : f32
    %broadcast_in_dim3A_122 = vector.broadcast %jit3A_121 : f32 to vector<256x4096xf32>
    %select_n3A_123 = arith.select %eq3A_120, %broadcast_in_dim3A_122, %select_n3A_116 : vector<256x4096xi1>, vector<256x4096xf32>
    %argmin3A_124 = tpu.reduce_index %select_n3A_123 {axis = 1 : i32, kind = #tpu.reduction_kind<arg_min>} : vector<256x4096xf32> -> vector<256xi32>
    %broadcast_in_dim3A_125 = vector.shape_cast %argmin3A_124 : vector<256xi32> to vector<256x1xi32>
    %eq3A_126 = vector.broadcast %broadcast_in_dim3A_125 : vector<256x1xi32> to vector<256x4096xi32>
    %eq3A_127 = arith.cmpi eq, %iota3A, %eq3A_126 : vector<256x4096xi32>
    %jit3A_128 = arith.constant 0x7F800000 : f32
    %broadcast_in_dim3A_129 = vector.broadcast %jit3A_128 : f32 to vector<256x4096xf32>
    %select_n3A_130 = arith.select %eq3A_127, %broadcast_in_dim3A_129, %select_n3A_123 : vector<256x4096xi1>, vector<256x4096xf32>
    %argmin3A_131 = tpu.reduce_index %select_n3A_130 {axis = 1 : i32, kind = #tpu.reduction_kind<arg_min>} : vector<256x4096xf32> -> vector<256xi32>
    %broadcast_in_dim3A_132 = vector.shape_cast %argmin3A_131 : vector<256xi32> to vector<256x1xi32>
    %eq3A_133 = vector.broadcast %broadcast_in_dim3A_132 : vector<256x1xi32> to vector<256x4096xi32>
    %eq3A_134 = arith.cmpi eq, %iota3A, %eq3A_133 : vector<256x4096xi32>
    %jit3A_135 = arith.constant 0x7F800000 : f32
    %broadcast_in_dim3A_136 = vector.broadcast %jit3A_135 : f32 to vector<256x4096xf32>
    %select_n3A_137 = arith.select %eq3A_134, %broadcast_in_dim3A_136, %select_n3A_130 : vector<256x4096xi1>, vector<256x4096xf32>
    %argmin3A_138 = tpu.reduce_index %select_n3A_137 {axis = 1 : i32, kind = #tpu.reduction_kind<arg_min>} : vector<256x4096xf32> -> vector<256xi32>
    %broadcast_in_dim3A_139 = vector.shape_cast %argmin3A_138 : vector<256xi32> to vector<256x1xi32>
    %eq3A_140 = vector.broadcast %broadcast_in_dim3A_139 : vector<256x1xi32> to vector<256x4096xi32>
    %eq3A_141 = arith.cmpi eq, %iota3A, %eq3A_140 : vector<256x4096xi32>
    %jit3A_142 = arith.constant 0x7F800000 : f32
    %broadcast_in_dim3A_143 = vector.broadcast %jit3A_142 : f32 to vector<256x4096xf32>
    %select_n3A_144 = arith.select %eq3A_141, %broadcast_in_dim3A_143, %select_n3A_137 : vector<256x4096xi1>, vector<256x4096xf32>
    %argmin3A_145 = tpu.reduce_index %select_n3A_144 {axis = 1 : i32, kind = #tpu.reduction_kind<arg_min>} : vector<256x4096xf32> -> vector<256xi32>
    %broadcast_in_dim3A_146 = vector.shape_cast %argmin3A_145 : vector<256xi32> to vector<256x1xi32>
    %eq3A_147 = vector.broadcast %broadcast_in_dim3A_146 : vector<256x1xi32> to vector<256x4096xi32>
    %eq3A_148 = arith.cmpi eq, %iota3A, %eq3A_147 : vector<256x4096xi32>
    %jit3A_149 = arith.constant 0x7F800000 : f32
    %broadcast_in_dim3A_150 = vector.broadcast %jit3A_149 : f32 to vector<256x4096xf32>
    %select_n3A_151 = arith.select %eq3A_148, %broadcast_in_dim3A_150, %select_n3A_144 : vector<256x4096xi1>, vector<256x4096xf32>
    %argmin3A_152 = tpu.reduce_index %select_n3A_151 {axis = 1 : i32, kind = #tpu.reduction_kind<arg_min>} : vector<256x4096xf32> -> vector<256xi32>
    %broadcast_in_dim3A_153 = vector.shape_cast %argmin3A_152 : vector<256xi32> to vector<256x1xi32>
    %concatenate3A = tpu.concatenate %broadcast_in_dim3A, %broadcast_in_dim3A_27, %broadcast_in_dim3A_34, %broadcast_in_dim3A_41, %broadcast_in_dim3A_48, %broadcast_in_dim3A_55, %broadcast_in_dim3A_62, %broadcast_in_dim3A_69, %broadcast_in_dim3A_76, %broadcast_in_dim3A_83, %broadcast_in_dim3A_90, %broadcast_in_dim3A_97, %broadcast_in_dim3A_104, %broadcast_in_dim3A_111, %broadcast_in_dim3A_118, %broadcast_in_dim3A_125, %broadcast_in_dim3A_132, %broadcast_in_dim3A_139, %broadcast_in_dim3A_146, %broadcast_in_dim3A_153 in 1 : vector<256x1xi32>, vector<256x1xi32>, vector<256x1xi32>, vector<256x1xi32>, vector<256x1xi32>, vector<256x1xi32>, vector<256x1xi32>, vector<256x1xi32>, vector<256x1xi32>, vector<256x1xi32>, vector<256x1xi32>, vector<256x1xi32>, vector<256x1xi32>, vector<256x1xi32>, vector<256x1xi32>, vector<256x1xi32>, vector<256x1xi32>, vector<256x1xi32>, vector<256x1xi32>, vector<256x1xi32> -> vector<256x20xi32>
    %mul3A_154 = arith.constant 4096 : i32
    %mul3A_155 = arith.muli %arg0, %mul3A_154 : i32
    %add3A_156 = vector.broadcast %mul3A_155 : i32 to vector<256x20xi32>
    %add3A_157 = arith.addi %concatenate3A, %add3A_156 : vector<256x20xi32>
    %transpose3A = tpu.transpose %add3A_157, [1, 0] : vector<256x20xi32> -> vector<20x256xi32>
    %swap3A = arith.constant 0 : index
    %swap3A_158 = arith.constant 0 : index
    %swap3A_159 = vector.load %arg6[%swap3A, %swap3A_158] : memref<20x256xi32, #tpu.memory_space<vmem>>, vector<20x256xi32>
    tpu.vector_store %arg6[%swap3A, %swap3A_158], %transpose3A {strides = array<i32>} : memref<20x256xi32, #tpu.memory_space<vmem>>, vector<20x256xi32>,
    return
  }
  func.func @transform_0(%arg0: i32, %arg1: i32) -> (i32, i32, i32) {
    %c0_i32 = arith.constant 0 : i32
    %c0_i32_0 = arith.constant 0 : i32
    return %arg0, %arg1, %c0_i32 : i32, i32, i32
  }
  func.func @transform_1(%arg0: i32, %arg1: i32) -> (i32, i32, i32) {
    %c0_i32 = arith.constant 0 : i32
    %c0_i32_0 = arith.constant 0 : i32
    %c0_i32_1 = arith.constant 0 : i32
    return %arg0, %c0_i32, %c0_i32_0 : i32, i32, i32
  }
  func.func @transform_2(%arg0: i32, %arg1: i32) -> (i32, i32, i32) {
    %c0_i32 = arith.constant 0 : i32
    %c0_i32_0 = arith.constant 0 : i32
    return %arg0, %arg1, %c0_i32 : i32, i32, i32
  }
  func.func @transform_3(%arg0: i32, %arg1: i32) -> (i32, i32, i32) {
    %c0_i32 = arith.constant 0 : i32
    %c0_i32_0 = arith.constant 0 : i32
    %c0_i32_1 = arith.constant 0 : i32
    return %arg0, %c0_i32, %c0_i32_0 : i32, i32, i32
  }
  func.func @transform_4(%arg0: i32, %arg1: i32) -> (i32, i32) {
    %mul3A = arith.constant 16 : i32
    %mul3A_0 = arith.muli %arg0, %mul3A : i32
    %add3A = arith.addi %mul3A_0, %arg1 : i32
    %c0_i32 = arith.constant 0 : i32
    %c0_i32_1 = arith.constant 0 : i32
    return %c0_i32, %add3A : i32, i32
  }
}

module attributes {stable_mosaic.version = 14 : i64} {
  func.func @_pipe_body(%arg0: i32, %arg1: memref<20x512x48xf32, #tpu.memory_space<vmem>>, %arg2: memref<512x32xf32, #tpu.memory_space<vmem>>, %arg3: memref<48x32xf32, #tpu.memory_space<vmem>>, %arg4: memref<48x32xf32, #tpu.memory_space<vmem>>, %arg5: memref<48x8xf32, #tpu.memory_space<vmem>>, %arg6: memref<1x32xf32, #tpu.memory_space<vmem>>, %arg7: memref<1x32xf32, #tpu.memory_space<vmem>>, %arg8: memref<64x64xf32, #tpu.memory_space<vmem>>, %arg9: memref<32x64xf32, #tpu.memory_space<vmem>>, %arg10: memref<32x64xf32, #tpu.memory_space<vmem>>, %arg11: memref<1x64xf32, #tpu.memory_space<vmem>>, %arg12: memref<32x64xf32, #tpu.memory_space<vmem>>, %arg13: memref<1x64xf32, #tpu.memory_space<vmem>>, %arg14: memref<512x64xf32, #tpu.memory_space<vmem>>, %arg15: memref<1x1x64xf32, #tpu.memory_space<vmem>>, %arg16: memref<1x1x64xf32, #tpu.memory_space<vmem>>) attributes {dimension_semantics = [#tpu.dimension_semantics<arbitrary>], iteration_bounds = array<i64: 32>, scalar_prefetch = 0 : i64, scratch_operands = 0 : i64, tpu.core_type = #tpu.core_type<tc>, window_params = [{transform_indices = @transform_0, window_bounds = array<i64: 20, 512, 48>}, {transform_indices = @transform_1, window_bounds = array<i64: 512, 32>}, {pipeline_mode = #tpu.pipeline_mode<synchronous>, transform_indices = @transform_2, window_bounds = array<i64: 48, 32>}, {pipeline_mode = #tpu.pipeline_mode<synchronous>, transform_indices = @transform_3, window_bounds = array<i64: 48, 32>}, {pipeline_mode = #tpu.pipeline_mode<synchronous>, transform_indices = @transform_4, window_bounds = array<i64: 48, 8>}, {pipeline_mode = #tpu.pipeline_mode<synchronous>, transform_indices = @transform_5, window_bounds = array<i64: 1, 32>}, {pipeline_mode = #tpu.pipeline_mode<synchronous>, transform_indices = @transform_6, window_bounds = array<i64: 1, 32>}, {pipeline_mode = #tpu.pipeline_mode<synchronous>, transform_indices = @transform_7, window_bounds = array<i64: 64, 64>}, {pipeline_mode = #tpu.pipeline_mode<synchronous>, transform_indices = @transform_8, window_bounds = array<i64: 32, 64>}, {pipeline_mode = #tpu.pipeline_mode<synchronous>, transform_indices = @transform_9, window_bounds = array<i64: 32, 64>}, {pipeline_mode = #tpu.pipeline_mode<synchronous>, transform_indices = @transform_10, window_bounds = array<i64: 1, 64>}, {pipeline_mode = #tpu.pipeline_mode<synchronous>, transform_indices = @transform_11, window_bounds = array<i64: 32, 64>}, {pipeline_mode = #tpu.pipeline_mode<synchronous>, transform_indices = @transform_12, window_bounds = array<i64: 1, 64>}, {transform_indices = @transform_13, window_bounds = array<i64: 512, 64>}, {transform_indices = @transform_14, window_bounds = array<i64: 1, 1, 64>}, {transform_indices = @transform_15, window_bounds = array<i64: 1, 1, 64>}]} {
    %get3A = arith.constant 0 : index
    %get3A_0 = arith.constant 0 : index
    %get3A_1 = arith.constant 0 : index
    %get3A_2 = vector.load %arg1[%get3A, %get3A_0, %get3A_1] : memref<20x512x48xf32, #tpu.memory_space<vmem>>, vector<20x512x48xf32>
    %slice3A = vector.extract_strided_slice %get3A_2 {offsets = [0, 0, 0], sizes = [1, 512, 48], strides = [1, 1, 1]} : vector<20x512x48xf32> to vector<1x512x48xf32>
    %squeeze3A = vector.shape_cast %slice3A : vector<1x512x48xf32> to vector<512x48xf32>
    %broadcast_in_dim3A = vector.shape_cast %squeeze3A : vector<512x48xf32> to vector<1x512x48xf32>
    %sub3A = vector.broadcast %broadcast_in_dim3A : vector<1x512x48xf32> to vector<20x512x48xf32>
    %sub3A_3 = arith.subf %get3A_2, %sub3A : vector<20x512x48xf32>
    %reshape3A = vector.shape_cast %sub3A_3 : vector<20x512x48xf32> to vector<10240x48xf32>
    %get3A_4 = arith.constant 0 : index
    %get3A_5 = arith.constant 0 : index
    %get3A_6 = vector.load %arg3[%get3A_4, %get3A_5] : memref<48x32xf32, #tpu.memory_space<vmem>>, vector<48x32xf32>
    %dot_general3A = arith.constant dense<0.000000e+00> : vector<512x32xf32>
    %dot_general3A_7 = tpu.matmul %squeeze3A, %get3A_6, %dot_general3A {dimension_numbers = #tpu.dot_dimension_numbers<[1], [0], [0], [1], [0, 0, 1, 1], [], []>, transpose_lhs_hint = false} : vector<512x48xf32>, vector<48x32xf32>, vector<512x32xf32> -> vector<512x32xf32>
    %get3A_8 = arith.constant 0 : index
    %get3A_9 = arith.constant 0 : index
    %get3A_10 = vector.load %arg4[%get3A_8, %get3A_9] : memref<48x32xf32, #tpu.memory_space<vmem>>, vector<48x32xf32>
    %dot_general3A_11 = arith.constant dense<0.000000e+00> : vector<10240x32xf32>
    %dot_general3A_12 = tpu.matmul %reshape3A, %get3A_10, %dot_general3A_11 {dimension_numbers = #tpu.dot_dimension_numbers<[1], [0], [0], [1], [0, 0, 1, 1], [], []>, transpose_lhs_hint = false} : vector<10240x48xf32>, vector<48x32xf32>, vector<10240x32xf32> -> vector<10240x32xf32>
    %mul3A = arith.mulf %reshape3A, %reshape3A : vector<10240x48xf32>
    %get3A_13 = arith.constant 0 : index
    %get3A_14 = arith.constant 0 : index
    %get3A_15 = vector.load %arg5[%get3A_13, %get3A_14] : memref<48x8xf32, #tpu.memory_space<vmem>>, vector<48x8xf32>
    %dot_general3A_16 = arith.constant dense<0.000000e+00> : vector<10240x8xf32>
    %dot_general3A_17 = tpu.matmul %mul3A, %get3A_15, %dot_general3A_16 {dimension_numbers = #tpu.dot_dimension_numbers<[1], [0], [0], [1], [0, 0, 1, 1], [], []>, transpose_lhs_hint = false} : vector<10240x48xf32>, vector<48x8xf32>, vector<10240x8xf32> -> vector<10240x8xf32>
    %slice3A_18 = vector.extract_strided_slice %dot_general3A_17 {offsets = [0, 0], sizes = [10240, 1], strides = [1, 1]} : vector<10240x8xf32> to vector<10240x1xf32>
    %add3A = arith.constant 9.99999996E-13 : f32
    %add3A_19 = vector.broadcast %add3A : f32 to vector<10240x1xf32>
    %add3A_20 = arith.addf %slice3A_18, %add3A_19 : vector<10240x1xf32>
    %sqrt3A = math.sqrt %add3A_20 : vector<10240x1xf32>
    %broadcast_in_dim3A_21 = vector.shape_cast %dot_general3A_7 : vector<512x32xf32> to vector<1x512x32xf32>
    %broadcast_in_dim3A_22 = vector.shape_cast %broadcast_in_dim3A_21 : vector<1x512x32xf32> to vector<1x512x32xf32>
    %broadcast_in_dim3A_23 = vector.broadcast %broadcast_in_dim3A_22 : vector<1x512x32xf32> to vector<20x512x32xf32>
    %reshape3A_24 = vector.shape_cast %broadcast_in_dim3A_23 : vector<20x512x32xf32> to vector<10240x32xf32>
    %add3A_25 = arith.addf %reshape3A_24, %dot_general3A_12 : vector<10240x32xf32>
    %get3A_26 = arith.constant 0 : index
    %get3A_27 = arith.constant 0 : index
    %get3A_28 = vector.load %arg6[%get3A_26, %get3A_27] : memref<1x32xf32, #tpu.memory_space<vmem>>, vector<1x32xf32>
    %mul3A_29 = vector.broadcast %sqrt3A : vector<10240x1xf32> to vector<10240x32xf32>
    %mul3A_30 = vector.broadcast %get3A_28 : vector<1x32xf32> to vector<10240x32xf32>
    %mul3A_31 = arith.mulf %mul3A_29, %mul3A_30 : vector<10240x32xf32>
    %add3A_32 = arith.addf %add3A_25, %mul3A_31 : vector<10240x32xf32>
    %get3A_33 = arith.constant 0 : index
    %get3A_34 = arith.constant 0 : index
    %get3A_35 = vector.load %arg7[%get3A_33, %get3A_34] : memref<1x32xf32, #tpu.memory_space<vmem>>, vector<1x32xf32>
    %add3A_36 = vector.broadcast %get3A_35 : vector<1x32xf32> to vector<10240x32xf32>
    %add3A_37 = arith.addf %add3A_32, %add3A_36 : vector<10240x32xf32>
    %slice3A_38 = vector.extract_strided_slice %get3A_2 {offsets = [0, 0, 0], sizes = [20, 512, 32], strides = [1, 1, 1]} : vector<20x512x48xf32> to vector<20x512x32xf32>
    %reshape3A_39 = vector.shape_cast %slice3A_38 : vector<20x512x32xf32> to vector<10240x32xf32>
    %get3A_40 = arith.constant 0 : index
    %get3A_41 = arith.constant 0 : index
    %get3A_42 = vector.load %arg8[%get3A_40, %get3A_41] : memref<64x64xf32, #tpu.memory_space<vmem>>, vector<64x64xf32>
    %slice3A_43 = vector.extract_strided_slice %get3A_42 {offsets = [0, 0], sizes = [32, 32], strides = [1, 1]} : vector<64x64xf32> to vector<32x32xf32>
    %dot_general3A_44 = arith.constant dense<0.000000e+00> : vector<10240x32xf32>
    %dot_general3A_45 = tpu.matmul %reshape3A_39, %slice3A_43, %dot_general3A_44 {dimension_numbers = #tpu.dot_dimension_numbers<[1], [0], [0], [1], [0, 0, 1, 1], [], []>, transpose_lhs_hint = false} : vector<10240x32xf32>, vector<32x32xf32>, vector<10240x32xf32> -> vector<10240x32xf32>
    %slice3A_46 = vector.extract_strided_slice %get3A_42 {offsets = [32, 0], sizes = [32, 32], strides = [1, 1]} : vector<64x64xf32> to vector<32x32xf32>
    %dot_general3A_47 = arith.constant dense<0.000000e+00> : vector<10240x32xf32>
    %dot_general3A_48 = tpu.matmul %add3A_37, %slice3A_46, %dot_general3A_47 {dimension_numbers = #tpu.dot_dimension_numbers<[1], [0], [0], [1], [0, 0, 1, 1], [], []>, transpose_lhs_hint = false} : vector<10240x32xf32>, vector<32x32xf32>, vector<10240x32xf32> -> vector<10240x32xf32>
    %add3A_49 = arith.addf %dot_general3A_45, %dot_general3A_48 : vector<10240x32xf32>
    %slice3A_50 = vector.extract_strided_slice %get3A_42 {offsets = [0, 32], sizes = [32, 32], strides = [1, 1]} : vector<64x64xf32> to vector<32x32xf32>
    %dot_general3A_51 = arith.constant dense<0.000000e+00> : vector<10240x32xf32>
    %dot_general3A_52 = tpu.matmul %reshape3A_39, %slice3A_50, %dot_general3A_51 {dimension_numbers = #tpu.dot_dimension_numbers<[1], [0], [0], [1], [0, 0, 1, 1], [], []>, transpose_lhs_hint = false} : vector<10240x32xf32>, vector<32x32xf32>, vector<10240x32xf32> -> vector<10240x32xf32>
    %slice3A_53 = vector.extract_strided_slice %get3A_42 {offsets = [32, 32], sizes = [32, 32], strides = [1, 1]} : vector<64x64xf32> to vector<32x32xf32>
    %dot_general3A_54 = arith.constant dense<0.000000e+00> : vector<10240x32xf32>
    %dot_general3A_55 = tpu.matmul %add3A_37, %slice3A_53, %dot_general3A_54 {dimension_numbers = #tpu.dot_dimension_numbers<[1], [0], [0], [1], [0, 0, 1, 1], [], []>, transpose_lhs_hint = false} : vector<10240x32xf32>, vector<32x32xf32>, vector<10240x32xf32> -> vector<10240x32xf32>
    %add3A_56 = arith.addf %dot_general3A_52, %dot_general3A_55 : vector<10240x32xf32>
    %exp3A = math.exp %add3A_49 : vector<10240x32xf32>
    %exp3A_57 = math.exp %add3A_56 : vector<10240x32xf32>
    %get3A_58 = arith.constant 0 : index
    %get3A_59 = arith.constant 0 : index
    %get3A_60 = vector.load %arg7[%get3A_58, %get3A_59] : memref<1x32xf32, #tpu.memory_space<vmem>>, vector<1x32xf32>
    %mul3A_61 = arith.constant 0.000000e+00 : f32
    %mul3A_62 = vector.broadcast %mul3A_61 : f32 to vector<1x32xf32>
    %mul3A_63 = arith.mulf %get3A_60, %mul3A_62 : vector<1x32xf32>
    %add3A_64 = arith.constant 1.000000e+00 : f32
    %add3A_65 = vector.broadcast %add3A_64 : f32 to vector<1x32xf32>
    %add3A_66 = arith.addf %mul3A_63, %add3A_65 : vector<1x32xf32>
    %add3A_67 = arith.addf %exp3A, %exp3A_57 : vector<10240x32xf32>
    %broadcast_in_dim3A_68 = vector.shape_cast %add3A_66 : vector<1x32xf32> to vector<1x32xf32>
    %broadcast_in_dim3A_69 = vector.broadcast %broadcast_in_dim3A_68 : vector<1x32xf32> to vector<32x32xf32>
    %dot_general3A_70 = arith.constant dense<0.000000e+00> : vector<10240x32xf32>
    %dot_general3A_71 = tpu.matmul %add3A_67, %broadcast_in_dim3A_69, %dot_general3A_70 {dimension_numbers = #tpu.dot_dimension_numbers<[1], [0], [0], [1], [0, 0, 1, 1], [], []>, transpose_lhs_hint = false} : vector<10240x32xf32>, vector<32x32xf32>, vector<10240x32xf32> -> vector<10240x32xf32>
    %div3A = arith.divf %exp3A, %dot_general3A_71 : vector<10240x32xf32>
    %mul3A_72 = arith.mulf %div3A, %reshape3A_39 : vector<10240x32xf32>
    %div3A_73 = arith.divf %exp3A_57, %dot_general3A_71 : vector<10240x32xf32>
    %mul3A_74 = arith.mulf %div3A_73, %add3A_37 : vector<10240x32xf32>
    %reshape3A_75 = vector.shape_cast %mul3A_72 : vector<10240x32xf32> to vector<20x512x32xf32>
    %reduce_sum3A = arith.constant dense<0.000000e+00> : vector<512x32xf32>
    %reduce_sum3A_76 = vector.multi_reduction <add>, %reshape3A_75, %reduce_sum3A [0] : vector<20x512x32xf32> to vector<512x32xf32>
    %reshape3A_77 = vector.shape_cast %mul3A_74 : vector<10240x32xf32> to vector<20x512x32xf32>
    %reduce_sum3A_78 = arith.constant dense<0.000000e+00> : vector<512x32xf32>
    %reduce_sum3A_79 = vector.multi_reduction <add>, %reshape3A_77, %reduce_sum3A_78 [0] : vector<20x512x32xf32> to vector<512x32xf32>
    %get3A_80 = arith.constant 0 : index
    %get3A_81 = arith.constant 0 : index
    %get3A_82 = vector.load %arg9[%get3A_80, %get3A_81] : memref<32x64xf32, #tpu.memory_space<vmem>>, vector<32x64xf32>
    %dot_general3A_83 = arith.constant dense<0.000000e+00> : vector<512x64xf32>
    %dot_general3A_84 = tpu.matmul %reduce_sum3A_76, %get3A_82, %dot_general3A_83 {dimension_numbers = #tpu.dot_dimension_numbers<[1], [0], [0], [1], [0, 0, 1, 1], [], []>, transpose_lhs_hint = false} : vector<512x32xf32>, vector<32x64xf32>, vector<512x64xf32> -> vector<512x64xf32>
    %get3A_85 = arith.constant 0 : index
    %get3A_86 = arith.constant 0 : index
    %get3A_87 = vector.load %arg10[%get3A_85, %get3A_86] : memref<32x64xf32, #tpu.memory_space<vmem>>, vector<32x64xf32>
    %dot_general3A_88 = arith.constant dense<0.000000e+00> : vector<512x64xf32>
    %dot_general3A_89 = tpu.matmul %reduce_sum3A_79, %get3A_87, %dot_general3A_88 {dimension_numbers = #tpu.dot_dimension_numbers<[1], [0], [0], [1], [0, 0, 1, 1], [], []>, transpose_lhs_hint = false} : vector<512x32xf32>, vector<32x64xf32>, vector<512x64xf32> -> vector<512x64xf32>
    %add3A_90 = arith.addf %dot_general3A_84, %dot_general3A_89 : vector<512x64xf32>
    %get3A_91 = arith.constant 0 : index
    %get3A_92 = arith.constant 0 : index
    %get3A_93 = vector.load %arg11[%get3A_91, %get3A_92] : memref<1x64xf32, #tpu.memory_space<vmem>>, vector<1x64xf32>
    %add3A_94 = vector.broadcast %get3A_93 : vector<1x64xf32> to vector<512x64xf32>
    %add3A_95 = arith.addf %add3A_90, %add3A_94 : vector<512x64xf32>
    %get3A_96 = arith.constant 0 : index
    %get3A_97 = arith.constant 0 : index
    %get3A_98 = vector.load %arg2[%get3A_96, %get3A_97] : memref<512x32xf32, #tpu.memory_space<vmem>>, vector<512x32xf32>
    %get3A_99 = arith.constant 0 : index
    %get3A_100 = arith.constant 0 : index
    %get3A_101 = vector.load %arg12[%get3A_99, %get3A_100] : memref<32x64xf32, #tpu.memory_space<vmem>>, vector<32x64xf32>
    %dot_general3A_102 = arith.constant dense<0.000000e+00> : vector<512x64xf32>
    %dot_general3A_103 = tpu.matmul %get3A_98, %get3A_101, %dot_general3A_102 {dimension_numbers = #tpu.dot_dimension_numbers<[1], [0], [0], [1], [0, 0, 1, 1], [], []>, transpose_lhs_hint = false} : vector<512x32xf32>, vector<32x64xf32>, vector<512x64xf32> -> vector<512x64xf32>
    %add3A_104 = arith.addf %add3A_95, %dot_general3A_103 : vector<512x64xf32>
    %get3A_105 = arith.constant 0 : index
    %get3A_106 = arith.constant 0 : index
    %get3A_107 = vector.load %arg13[%get3A_105, %get3A_106] : memref<1x64xf32, #tpu.memory_space<vmem>>, vector<1x64xf32>
    %add3A_108 = vector.broadcast %get3A_107 : vector<1x64xf32> to vector<512x64xf32>
    %add3A_109 = arith.addf %add3A_104, %add3A_108 : vector<512x64xf32>
    %swap3A = arith.constant 0 : index
    %swap3A_110 = arith.constant 0 : index
    %swap3A_111 = vector.load %arg14[%swap3A, %swap3A_110] : memref<512x64xf32, #tpu.memory_space<vmem>>, vector<512x64xf32>
    tpu.vector_store %arg14[%swap3A, %swap3A_110], %add3A_109 {strides = array<i32>} : memref<512x64xf32, #tpu.memory_space<vmem>>, vector<512x64xf32>,
    %reduce_sum3A_112 = arith.constant dense<0.000000e+00> : vector<64xf32>
    %reduce_sum3A_113 = vector.multi_reduction <add>, %add3A_109, %reduce_sum3A_112 [0] : vector<512x64xf32> to vector<64xf32>
    %broadcast_in_dim3A_114 = vector.shape_cast %reduce_sum3A_113 : vector<64xf32> to vector<1x64xf32>
    %broadcast_in_dim3A_115 = vector.shape_cast %broadcast_in_dim3A_114 : vector<1x64xf32> to vector<1x1x64xf32>
    %swap3A_116 = arith.constant 0 : index
    %swap3A_117 = arith.constant 0 : index
    %swap3A_118 = arith.constant 0 : index
    %swap3A_119 = vector.load %arg15[%swap3A_116, %swap3A_117, %swap3A_118] : memref<1x1x64xf32, #tpu.memory_space<vmem>>, vector<1x1x64xf32>
    tpu.vector_store %arg15[%swap3A_116, %swap3A_117, %swap3A_118], %broadcast_in_dim3A_115 {strides = array<i32>} : memref<1x1x64xf32, #tpu.memory_space<vmem>>, vector<1x1x64xf32>,
    %mul3A_120 = arith.mulf %add3A_109, %add3A_109 : vector<512x64xf32>
    %reduce_sum3A_121 = arith.constant dense<0.000000e+00> : vector<64xf32>
    %reduce_sum3A_122 = vector.multi_reduction <add>, %mul3A_120, %reduce_sum3A_121 [0] : vector<512x64xf32> to vector<64xf32>
    %broadcast_in_dim3A_123 = vector.shape_cast %reduce_sum3A_122 : vector<64xf32> to vector<1x64xf32>
    %broadcast_in_dim3A_124 = vector.shape_cast %broadcast_in_dim3A_123 : vector<1x64xf32> to vector<1x1x64xf32>
    %swap3A_125 = arith.constant 0 : index
    %swap3A_126 = arith.constant 0 : index
    %swap3A_127 = arith.constant 0 : index
    %swap3A_128 = vector.load %arg16[%swap3A_125, %swap3A_126, %swap3A_127] : memref<1x1x64xf32, #tpu.memory_space<vmem>>, vector<1x1x64xf32>
    tpu.vector_store %arg16[%swap3A_125, %swap3A_126, %swap3A_127], %broadcast_in_dim3A_124 {strides = array<i32>} : memref<1x1x64xf32, #tpu.memory_space<vmem>>, vector<1x1x64xf32>,
    return
  }
  func.func @transform_0(%arg0: i32) -> (i32, i32, i32) {
    %c0_i32 = arith.constant 0 : i32
    %c0_i32_0 = arith.constant 0 : i32
    %c0_i32_1 = arith.constant 0 : i32
    return %c0_i32, %arg0, %c0_i32_0 : i32, i32, i32
  }
  func.func @transform_1(%arg0: i32) -> (i32, i32) {
    %c0_i32 = arith.constant 0 : i32
    %c0_i32_0 = arith.constant 0 : i32
    return %arg0, %c0_i32 : i32, i32
  }
  func.func @transform_2(%arg0: i32) -> (i32, i32) {
    %c0_i32 = arith.constant 0 : i32
    %c0_i32_0 = arith.constant 0 : i32
    %c0_i32_1 = arith.constant 0 : i32
    return %c0_i32, %c0_i32_0 : i32, i32
  }
  func.func @transform_3(%arg0: i32) -> (i32, i32) {
    %c0_i32 = arith.constant 0 : i32
    %c0_i32_0 = arith.constant 0 : i32
    %c0_i32_1 = arith.constant 0 : i32
    return %c0_i32, %c0_i32_0 : i32, i32
  }
  func.func @transform_4(%arg0: i32) -> (i32, i32) {
    %c0_i32 = arith.constant 0 : i32
    %c0_i32_0 = arith.constant 0 : i32
    %c0_i32_1 = arith.constant 0 : i32
    return %c0_i32, %c0_i32_0 : i32, i32
  }
  func.func @transform_5(%arg0: i32) -> (i32, i32) {
    %c0_i32 = arith.constant 0 : i32
    %c0_i32_0 = arith.constant 0 : i32
    %c0_i32_1 = arith.constant 0 : i32
    return %c0_i32, %c0_i32_0 : i32, i32
  }
  func.func @transform_6(%arg0: i32) -> (i32, i32) {
    %c0_i32 = arith.constant 0 : i32
    %c0_i32_0 = arith.constant 0 : i32
    %c0_i32_1 = arith.constant 0 : i32
    return %c0_i32, %c0_i32_0 : i32, i32
  }
  func.func @transform_7(%arg0: i32) -> (i32, i32) {
    %c0_i32 = arith.constant 0 : i32
    %c0_i32_0 = arith.constant 0 : i32
    %c0_i32_1 = arith.constant 0 : i32
    return %c0_i32, %c0_i32_0 : i32, i32
  }
  func.func @transform_8(%arg0: i32) -> (i32, i32) {
    %c0_i32 = arith.constant 0 : i32
    %c0_i32_0 = arith.constant 0 : i32
    %c0_i32_1 = arith.constant 0 : i32
    return %c0_i32, %c0_i32_0 : i32, i32
  }
  func.func @transform_9(%arg0: i32) -> (i32, i32) {
    %c0_i32 = arith.constant 0 : i32
    %c0_i32_0 = arith.constant 0 : i32
    %c0_i32_1 = arith.constant 0 : i32
    return %c0_i32, %c0_i32_0 : i32, i32
  }
  func.func @transform_10(%arg0: i32) -> (i32, i32) {
    %c0_i32 = arith.constant 0 : i32
    %c0_i32_0 = arith.constant 0 : i32
    %c0_i32_1 = arith.constant 0 : i32
    return %c0_i32, %c0_i32_0 : i32, i32
  }
  func.func @transform_11(%arg0: i32) -> (i32, i32) {
    %c0_i32 = arith.constant 0 : i32
    %c0_i32_0 = arith.constant 0 : i32
    %c0_i32_1 = arith.constant 0 : i32
    return %c0_i32, %c0_i32_0 : i32, i32
  }
  func.func @transform_12(%arg0: i32) -> (i32, i32) {
    %c0_i32 = arith.constant 0 : i32
    %c0_i32_0 = arith.constant 0 : i32
    %c0_i32_1 = arith.constant 0 : i32
    return %c0_i32, %c0_i32_0 : i32, i32
  }
  func.func @transform_13(%arg0: i32) -> (i32, i32) {
    %c0_i32 = arith.constant 0 : i32
    %c0_i32_0 = arith.constant 0 : i32
    return %arg0, %c0_i32 : i32, i32
  }
  func.func @transform_14(%arg0: i32) -> (i32, i32, i32) {
    %c0_i32 = arith.constant 0 : i32
    %c0_i32_0 = arith.constant 0 : i32
    %c0_i32_1 = arith.constant 0 : i32
    return %arg0, %c0_i32, %c0_i32_0 : i32, i32, i32
  }
  func.func @transform_15(%arg0: i32) -> (i32, i32, i32) {
    %c0_i32 = arith.constant 0 : i32
    %c0_i32_0 = arith.constant 0 : i32
    %c0_i32_1 = arith.constant 0 : i32
    return %arg0, %c0_i32, %c0_i32_0 : i32, i32, i32
  }
}

module attributes {stable_mosaic.version = 14 : i64} {
  func.func @_bn_body(%arg0: i32, %arg1: memref<2048x64xf32, #tpu.memory_space<vmem>>, %arg2: memref<32x1x64xf32, #tpu.memory_space<vmem>>, %arg3: memref<32x1x64xf32, #tpu.memory_space<vmem>>, %arg4: memref<1x64xf32, #tpu.memory_space<vmem>>, %arg5: memref<1x64xf32, #tpu.memory_space<vmem>>, %arg6: memref<1x64x2048xf32, #tpu.memory_space<vmem>>) attributes {dimension_semantics = [#tpu.dimension_semantics<arbitrary>], iteration_bounds = array<i64: 8>, scalar_prefetch = 0 : i64, scratch_operands = 0 : i64, tpu.core_type = #tpu.core_type<tc>, window_params = [{transform_indices = @transform_0, window_bounds = array<i64: 2048, 64>}, {pipeline_mode = #tpu.pipeline_mode<synchronous>, transform_indices = @transform_1, window_bounds = array<i64: 32, 1, 64>}, {pipeline_mode = #tpu.pipeline_mode<synchronous>, transform_indices = @transform_2, window_bounds = array<i64: 32, 1, 64>}, {pipeline_mode = #tpu.pipeline_mode<synchronous>, transform_indices = @transform_3, window_bounds = array<i64: 1, 64>}, {pipeline_mode = #tpu.pipeline_mode<synchronous>, transform_indices = @transform_4, window_bounds = array<i64: 1, 64>}, {transform_indices = @transform_5, window_bounds = array<i64: 1, 64, 2048>}]} {
    %get3A = arith.constant 0 : index
    %get3A_0 = arith.constant 0 : index
    %get3A_1 = arith.constant 0 : index
    %get3A_2 = vector.load %arg2[%get3A, %get3A_0, %get3A_1] : memref<32x1x64xf32, #tpu.memory_space<vmem>>, vector<32x1x64xf32>
    %squeeze3A = vector.shape_cast %get3A_2 : vector<32x1x64xf32> to vector<32x64xf32>
    %reduce_sum3A = arith.constant dense<0.000000e+00> : vector<64xf32>
    %reduce_sum3A_3 = vector.multi_reduction <add>, %squeeze3A, %reduce_sum3A [0] : vector<32x64xf32> to vector<64xf32>
    %broadcast_in_dim3A = vector.shape_cast %reduce_sum3A_3 : vector<64xf32> to vector<1x64xf32>
    %div3A = arith.constant 1.638400e+04 : f32
    %div3A_4 = vector.broadcast %div3A : f32 to vector<1x64xf32>
    %div3A_5 = arith.divf %broadcast_in_dim3A, %div3A_4 : vector<1x64xf32>
    %get3A_6 = arith.constant 0 : index
    %get3A_7 = arith.constant 0 : index
    %get3A_8 = arith.constant 0 : index
    %get3A_9 = vector.load %arg3[%get3A_6, %get3A_7, %get3A_8] : memref<32x1x64xf32, #tpu.memory_space<vmem>>, vector<32x1x64xf32>
    %squeeze3A_10 = vector.shape_cast %get3A_9 : vector<32x1x64xf32> to vector<32x64xf32>
    %reduce_sum3A_11 = arith.constant dense<0.000000e+00> : vector<64xf32>
    %reduce_sum3A_12 = vector.multi_reduction <add>, %squeeze3A_10, %reduce_sum3A_11 [0] : vector<32x64xf32> to vector<64xf32>
    %broadcast_in_dim3A_13 = vector.shape_cast %reduce_sum3A_12 : vector<64xf32> to vector<1x64xf32>
    %div3A_14 = arith.constant 1.638400e+04 : f32
    %div3A_15 = vector.broadcast %div3A_14 : f32 to vector<1x64xf32>
    %div3A_16 = arith.divf %broadcast_in_dim3A_13, %div3A_15 : vector<1x64xf32>
    %mul3A = arith.mulf %div3A_5, %div3A_5 : vector<1x64xf32>
    %sub3A = arith.subf %div3A_16, %mul3A : vector<1x64xf32>
    %add3A = arith.constant 9.99999974E-6 : f32
    %add3A_17 = vector.broadcast %add3A : f32 to vector<1x64xf32>
    %add3A_18 = arith.addf %sub3A, %add3A_17 : vector<1x64xf32>
    %rsqrt3A = math.rsqrt %add3A_18 : vector<1x64xf32>
    %get3A_19 = arith.constant 0 : index
    %get3A_20 = arith.constant 0 : index
    %get3A_21 = vector.load %arg1[%get3A_19, %get3A_20] : memref<2048x64xf32, #tpu.memory_space<vmem>>, vector<2048x64xf32>
    %sub3A_22 = vector.broadcast %div3A_5 : vector<1x64xf32> to vector<2048x64xf32>
    %sub3A_23 = arith.subf %get3A_21, %sub3A_22 : vector<2048x64xf32>
    %mul3A_24 = vector.broadcast %rsqrt3A : vector<1x64xf32> to vector<2048x64xf32>
    %mul3A_25 = arith.mulf %sub3A_23, %mul3A_24 : vector<2048x64xf32>
    %get3A_26 = arith.constant 0 : index
    %get3A_27 = arith.constant 0 : index
    %get3A_28 = vector.load %arg4[%get3A_26, %get3A_27] : memref<1x64xf32, #tpu.memory_space<vmem>>, vector<1x64xf32>
    %mul3A_29 = vector.broadcast %get3A_28 : vector<1x64xf32> to vector<2048x64xf32>
    %mul3A_30 = arith.mulf %mul3A_25, %mul3A_29 : vector<2048x64xf32>
    %get3A_31 = arith.constant 0 : index
    %get3A_32 = arith.constant 0 : index
    %get3A_33 = vector.load %arg5[%get3A_31, %get3A_32] : memref<1x64xf32, #tpu.memory_space<vmem>>, vector<1x64xf32>
    %add3A_34 = vector.broadcast %get3A_33 : vector<1x64xf32> to vector<2048x64xf32>
    %add3A_35 = arith.addf %mul3A_30, %add3A_34 : vector<2048x64xf32>
    %transpose3A = tpu.transpose %add3A_35, [1, 0] : vector<2048x64xf32> -> vector<64x2048xf32>
    %swap3A = arith.constant 0 : index
    %swap3A_36 = arith.constant 0 : index
    %swap3A_37 = arith.constant 0 : index
    %swap3A_38 = vector.load %arg6[%swap3A, %swap3A_36, %swap3A_37] : memref<1x64x2048xf32, #tpu.memory_space<vmem>>, vector<1x64x2048xf32>
    %swap3A_39 = vector.shape_cast %swap3A_38 : vector<1x64x2048xf32> to vector<64x2048xf32>
    %swap3A_40 = vector.shape_cast %transpose3A : vector<64x2048xf32> to vector<1x64x2048xf32>
    tpu.vector_store %arg6[%swap3A, %swap3A_36, %swap3A_37], %swap3A_40 {strides = array<i32>} : memref<1x64x2048xf32, #tpu.memory_space<vmem>>, vector<1x64x2048xf32>,
    return
  }
  func.func @transform_0(%arg0: i32) -> (i32, i32) {
    %c0_i32 = arith.constant 0 : i32
    %c0_i32_0 = arith.constant 0 : i32
    return %arg0, %c0_i32 : i32, i32
  }
  func.func @transform_1(%arg0: i32) -> (i32, i32, i32) {
    %c0_i32 = arith.constant 0 : i32
    %c0_i32_0 = arith.constant 0 : i32
    %c0_i32_1 = arith.constant 0 : i32
    %c0_i32_2 = arith.constant 0 : i32
    return %c0_i32, %c0_i32_0, %c0_i32_1 : i32, i32, i32
  }
  func.func @transform_2(%arg0: i32) -> (i32, i32, i32) {
    %c0_i32 = arith.constant 0 : i32
    %c0_i32_0 = arith.constant 0 : i32
    %c0_i32_1 = arith.constant 0 : i32
    %c0_i32_2 = arith.constant 0 : i32
    return %c0_i32, %c0_i32_0, %c0_i32_1 : i32, i32, i32
  }
  func.func @transform_3(%arg0: i32) -> (i32, i32) {
    %c0_i32 = arith.constant 0 : i32
    %c0_i32_0 = arith.constant 0 : i32
    %c0_i32_1 = arith.constant 0 : i32
    return %c0_i32, %c0_i32_0 : i32, i32
  }
  func.func @transform_4(%arg0: i32) -> (i32, i32) {
    %c0_i32 = arith.constant 0 : i32
    %c0_i32_0 = arith.constant 0 : i32
    %c0_i32_1 = arith.constant 0 : i32
    return %c0_i32, %c0_i32_0 : i32, i32
  }
  func.func @transform_5(%arg0: i32) -> (i32, i32, i32) {
    %jit3A = arith.constant 2 : i32
    %div3A = arith.divsi %arg0, %jit3A : i32
    %sign3A = arith.constant 0 : i32
    %sign3A_0 = arith.cmpi sgt, %arg0, %sign3A : i32
    %sign3A_1 = arith.extui %sign3A_0 : i1 to i32
    %sign3A_2 = arith.constant 0 : i32
    %sign3A_3 = arith.cmpi slt, %arg0, %sign3A_2 : i32
    %sign3A_4 = arith.extui %sign3A_3 : i1 to i32
    %sign3A_5 = arith.subi %sign3A_1, %sign3A_4 : i32
    %sign3A_6 = arith.constant 0 : i32
    %sign3A_7 = arith.cmpi sgt, %jit3A, %sign3A_6 : i32
    %sign3A_8 = arith.extui %sign3A_7 : i1 to i32
    %sign3A_9 = arith.constant 0 : i32
    %sign3A_10 = arith.cmpi slt, %jit3A, %sign3A_9 : i32
    %sign3A_11 = arith.extui %sign3A_10 : i1 to i32
    %sign3A_12 = arith.subi %sign3A_8, %sign3A_11 : i32
    %ne3A = arith.cmpi ne, %sign3A_5, %sign3A_12 : i32
    %rem3A = arith.remsi %arg0, %jit3A : i32
    %ne3A_13 = arith.constant 0 : i32
    %ne3A_14 = arith.cmpi ne, %rem3A, %ne3A_13 : i32
    %and3A = arith.andi %ne3A, %ne3A_14 : i1
    %sub3A = arith.constant 1 : i32
    %sub3A_15 = arith.subi %div3A, %sub3A : i32
    %select_n3A = arith.select %and3A, %sub3A_15, %div3A : i32
    %jit3A_16 = arith.constant 2 : i32
    %eq3A = arith.constant 0 : i32
    %eq3A_17 = arith.cmpi eq, %jit3A_16, %eq3A : i32
    %jit3A_18 = arith.constant 1 : i32
    %select_n3A_19 = arith.select %eq3A_17, %jit3A_18, %jit3A_16 : i32
    %rem3A_20 = arith.remsi %arg0, %select_n3A_19 : i32
    %ne3A_21 = arith.constant 0 : i32
    %ne3A_22 = arith.cmpi ne, %rem3A_20, %ne3A_21 : i32
    %lt3A = arith.constant 0 : i32
    %lt3A_23 = arith.cmpi slt, %rem3A_20, %lt3A : i32
    %lt3A_24 = arith.constant 0 : i32
    %lt3A_25 = arith.cmpi slt, %select_n3A_19, %lt3A_24 : i32
    %ne3A_26 = arith.xori %lt3A_23, %lt3A_25 : i1
    %and3A_27 = arith.andi %ne3A_26, %ne3A_22 : i1
    %add3A = arith.addi %rem3A_20, %select_n3A_19 : i32
    %select_n3A_28 = arith.select %and3A_27, %add3A, %rem3A_20 : i32
    %c0_i32 = arith.constant 0 : i32
    %c0_i32_29 = arith.constant 0 : i32
    return %select_n3A, %c0_i32, %select_n3A_28 : i32, i32, i32
  }
}

</mosaic_0001>

<sc_bundles>
// kernel: kernel.6.cloned.1.call-start
scs
__scs_entry_jumppad:
0x0: {  	(pc) =	sbr.rel $0x88, $3  }
0x1: {  	(tag) =	ssettag $0x0;
	lr =	simm.s32 $0x1  }
0x2: {  	[smem:$0x3F96] =	sst lr;
	_ =	strace $0xD0000000  }
0x3: {  	_ = 	snop  }
0x4: {  	_ = 	snop  }
0x5: {  	_ = 	snop  }
0x6: {  	_ = 	snop  }
0x7: {  	_ = 	snop  }
__scs_overlays_trampoline_lowered:
0x8: {  	[smem:$0x3FA5] =	sst s0  }
0x9: {  	[smem:$0x3FA6] =	sst s1  }
0xa: {  	[smem:$0x3FA7] =	sst s2  }
0xb: {  	[smem:$0x3FA8] =	sst s3  }
0xc: {  	[smem:$0x3FA9] =	sst s4  }
0xd: {  	[smem:$0x3FAA] =	sst s5  }
0xe: {  	[smem:$0x3FAB] =	sst s6  }
0xf: {  	[smem:$0x3FAC] =	sst s7  }
0x10: {  	[smem:$0x3FAD] =	sst s8  }
0x11: {  	[smem:$0x3FAE] =	sst s9;
	s0 =	simm.s32 @!p0 $0x0  }
0x12: {  	s1 =	sld [smem:$0x3F94];
	s0 =	simm.s32 @p0 $0x1  }
0x13: {  	[smem:$0x3FAF] =	sst s0;
	s0 =	simm.s32 @!p1 $0x0  }
0x14: {  	s2 =	sld [smem:$0x3F93];
	s0 =	simm.s32 @p1 $0x1  }
0x15: {  	[smem:$0x3FB0] =	sst s0;
	s0 =	simm.s32 @!p2 $0x0  }
0x16: {  	s3 =	sld [smem:$0x3FDB];
	s0 =	simm.s32 @p2 $0x1  }
0x17: {  	s4 =	simm.s32 $0x1BF5;
	[smem:$0x3FB2] =	sst s0  }
0x18: {  	s0 =	sld [smem:$0x3F95];
	_ =	swait.ge [sflag:s4], $0x0  }
0x19: {  	s7 =	sld [smem:$0x3F96]  }
0x1a: {  	s8 =	sadd.s32 $0xFFFFE003, lr  }
0x1b: {  	s9 =	sadd.s32 $0xFFFFFEF7, lr;
	s5 =	simm.s32 $0xFFFFFFFF;
	p2 =	slt.u32 s8, $0xFFFFF086  }
0x1c: {  	p1 =	slt.u32 s9, $0xF7A;
	s5 =	simm.s32 @!p2 $0x0  }
0x1d: {  	s5 =	simm.s32 @p1 $0x1;
	p0 =	seq.s32 s7, s2  }
0x1e: {  	s7 =	smul.u32 @!p0 $0xF7A, s2;
	p2 =	seq.s32 @!p0 s5, $0x0  }
0x1f: {  	s9 =	smul.u32 $0xF7A, s1;
	s8 =	simm.s32 @!p0 $0x1BF5;
	p2 =	por !p2, p0  }
0x20: {  	[sflag:s8] =	ssyncset.s32 @!p0 $0xFFFFF086;
	s6 =	sadd.s32 @!p0 s3, s7;
	s7 =	simm.s32 @!p0 $0x108  }
0x21: {  	s3 =	sadd.s32 s3, s9;
	s6 =	sadd.s32 @!p0 $0x88, s6;
	s7 =	simm.s32 @p2 $0x1082  }
0x22: {  	[simem:s7], [sflag:s8] =	dma.local @!p0 [hbm:s6], $0xF7A  }
0x23: {  	s9 =	sor.u32 $0xD0000000, s2;
	s6 =	simm.s32 $0x108;
	_ =	swait.ge @!p0 [sflag:s8], $0x0  }
0x24: {  	s3 =	sadd.s32 $0x88, s3;
	s6 =	simm.s32 @!p1 $0x1082;
	[sflag:s4] =	ssyncset.s32 $0xFFFFF086  }
0x25: {  	[simem:s6], [sflag:s4] =	dma.local [hbm:s3], $0xF7A  }
0x26: {  	[smem:$0x3F96] =	sst s1;
	(tag) =	ssettag s2;
	_ =	strace s9  }
0x27: {  	s1 =	sld [smem:$0x3FA6]  }
0x28: {  	s2 =	sld [smem:$0x3FA7]  }
0x29: {  	s4 =	sld [smem:$0x3FA9]  }
0x2a: {  	p0 =	seq.s32 s5, $0x0;
	s5 =	sld [smem:$0x3FAA]  }
0x2b: {  	s6 =	sld [smem:$0x3FAB]  }
0x2c: {  	s7 =	sld [smem:$0x3FAC]  }
0x2d: {  	s3 =	simm.s32 $0x108;
	s8 =	sld [smem:$0x3FAD]  }
0x2e: {  	s3 =	simm.s32 @!p0 $0x1082;
	s9 =	sld [smem:$0x3FAE]  }
0x2f: {  	lr =	sadd.s32 s0, s3;
	s0 =	sld [smem:$0x3FA5]  }
0x30: {  	s3 =	sld [smem:$0x3FA8]  }
0x31: {  	[smem:$0x3FB1] =	sst s10  }
0x32: {  	s10 =	sld [smem:$0x3FAF];
	_ =	sdelay $0x3  }
0x33: {  	p0 =	seq.s32 s10, $0x1;
	s10 =	sld [smem:$0x3FB1];
	_ =	sdelay $0x3  }
0x34: {  	[smem:$0x3FB1] =	sst s10  }
0x35: {  	s10 =	sld [smem:$0x3FB0];
	_ =	sdelay $0x3  }
0x36: {  	p1 =	seq.s32 s10, $0x1;
	s10 =	sld [smem:$0x3FB1];
	_ =	sdelay $0x3  }
0x37: {  	[smem:$0x3FB1] =	sst s10  }
0x38: {  	s10 =	sld [smem:$0x3FB2]  }
0x39: {  	_ = 	snop;
	(pc) =	sbr.ind lr, $3  }
0x3a: {  	_ = 	snop  }
0x3b: {  	_ = 	snop  }
0x3c: {  	p2 =	seq.s32 s10, $0x1;
	s10 =	sld [smem:$0x3FB1]  }
0x3d: {  	_ =	shalt  }
0x3e: {  	_ =	shalt  }
0x3f: {  	_ =	shalt  }
0x40: {  	_ =	shalt  }
0x41: {  	_ =	shalt  }
0x42: {  	_ =	shalt  }
0x43: {  	_ =	shalt  }
0x44: {  	_ =	shalt  }
0x45: {  	_ =	shalt  }
0x46: {  	_ =	shalt  }
0x47: {  	_ =	shalt  }
0x48: {  	_ =	shalt  }
0x49: {  	_ =	shalt  }
0x4a: {  	_ =	shalt  }
0x4b: {  	_ =	shalt  }
0x4c: {  	_ =	shalt  }
0x4d: {  	_ =	shalt  }
0x4e: {  	_ =	shalt  }
0x4f: {  	_ =	shalt  }
0x50: {  	_ =	shalt  }
0x51: {  	_ =	shalt  }
0x52: {  	_ =	shalt  }
0x53: {  	_ =	shalt  }
0x54: {  	_ =	shalt  }
0x55: {  	_ =	shalt  }
0x56: {  	_ =	shalt  }
0x57: {  	_ =	shalt  }
0x58: {  	_ =	shalt  }
0x59: {  	_ =	shalt  }
0x5a: {  	_ =	shalt  }
0x5b: {  	_ =	shalt  }
0x5c: {  	_ =	shalt  }
0x5d: {  	_ =	shalt  }
0x5e: {  	_ =	shalt  }
0x5f: {  	_ =	shalt  }
0x60: {  	_ =	shalt  }
0x61: {  	_ =	shalt  }
0x62: {  	_ =	shalt  }
0x63: {  	_ =	shalt  }
0x64: {  	_ =	shalt  }
0x65: {  	_ =	shalt  }
0x66: {  	_ =	shalt  }
0x67: {  	_ =	shalt  }
0x68: {  	_ =	shalt  }
0x69: {  	_ =	shalt  }
0x6a: {  	_ =	shalt  }
0x6b: {  	_ =	shalt  }
0x6c: {  	_ =	shalt  }
0x6d: {  	_ =	shalt  }
0x6e: {  	_ =	shalt  }
0x6f: {  	_ =	shalt  }
0x70: {  	_ =	shalt  }
0x71: {  	_ =	shalt  }
0x72: {  	_ =	shalt  }
0x73: {  	_ =	shalt  }
0x74: {  	_ =	shalt  }
0x75: {  	_ =	shalt  }
0x76: {  	_ =	shalt  }
0x77: {  	_ =	shalt  }
0x78: {  	_ =	shalt  }
0x79: {  	_ =	shalt  }
0x7a: {  	_ =	shalt  }
0x7b: {  	_ =	shalt  }
0x7c: {  	_ =	shalt  }
0x7d: {  	_ =	shalt  }
0x7e: {  	_ =	shalt  }
0x7f: {  	_ =	shalt  }
0x80: {  	_ =	shalt  }
0x81: {  	_ =	shalt  }
0x82: {  	_ =	shalt  }
0x83: {  	_ =	shalt  }
0x84: {  	_ =	shalt  }
0x85: {  	_ =	shalt  }
0x86: {  	_ =	shalt  }
0x87: {  	_ =	shalt  }
.Lfunc_end0:
.L_simem_size_0:
called_computation_lowered:
.L_overlay_start_0:
0x88: {  	s2 =	sld [smem:$0x3FD9]  }
0x89: {  	s3 =	sld [smem:$0x3FFE];
	_ =	sdelay $0x1  }
0x8a: {  	s1 =	srdreg.scid  }
0x8b: {  	s0 =	sand.u32 $0x1, s1  }
0x8c: {  	s17 =	sshll.u32 s0, $0xA;
	s2 =	sadd.s32 s3, s2  }
0x8d: {  	s2 =	sadd.s32 s2, s17  }
0x8e: {  	[smem:$0x3FBD] =	sst s2  }
0x8f: {  	_ = 	snop  }
0x90: {  	s2 =	sld [smem:$0x3FD0];
	(tm) =	ssettm $0x1  }
0x91: {  	s18 =	sld [smem:$0x3FFB];
	_ =	sdelay $0x3  }
0x92: {  	_ =	strace s18  }
0x93: {  	s3 =	sld [smem:$0x3FFC];
	_ =	sdelay $0x3  }
0x94: {  	_ =	strace s3  }
0x95: {  	s3 =	sld [smem:$0x3FFD];
	_ =	sdelay $0x3  }
0x96: {  	_ =	strace s3  }
0x97: {  	_ =	strace $0x8FFFFFFF  }
0x98: {  	s19 =	sld [smem:$0x3FDB];
	_ =	sdelay $0x1  }
0x99: {  	s4 =	simm.s32 $_scs_section_size  }
0x9a: {  	s5 =	simm.s32 $_size__tile_overlayer_lowered;
	s6 =	simm.s32 $_tile_overlayer_lowered  }
0x9b: {  	s22 =	simm.s32 $0x1BFF;
	s21 =	sshll.u32 s6, $0x1;
	s3 =	sadd.s32 s4, s19  }
0x9c: {  	s7 =	simm.s32 $0x0;
	s20 =	sshll.u32 s5, $0x1;
	s5 =	sadd.s32 s21, s3  }
0x9d: {  	[timem:s7], [sflag:s22] =	dma.local [hbm:s5], s20  }
0x9e: {  	_ =	swait.ge [sflag:s22], s20  }
0x9f: {  	s4 =	ssub.s32 $0x0, s20;
	[sflag:s22] =	ssyncset.done $0x0  }
0xa0: {  	[sflag:s22] =	ssyncadd.s32 s4;
	_ =	sdelay $0x1  }
0xa1: {  	s23 =	simm.s32 $0x1B8B  }
0xa2: {  	_ =	swait.ge [sflag:s23], $0x1  }
0xa3: {  	[sflag:s23] =	ssyncset.done $0x0  }
0xa4: {  	s25 =	simm.s32 $0x1B8E;
	s24 =	sld [smem:$0x3FFE];
	[sflag:s23] =	ssyncadd.s32 $0xFFFFFFFF  }
0xa5: {  	s26 =	simm.s32 $execute0_lowered;
	[smem:$0x3FD2] =	sst s25  }
0xa6: {  	s5 =	sshll.u32 s26, $0x1;
	_ =	strace $0x80000046;
	[dreg:$0x1] =	wrdreg $0xFFFFFFFF  }
0xa7: {  	s28 =	simm.s32 $_size_execute0_lowered;
	s3 =	sadd.s32 s3, s5;
	[dreg:$0x0] =	wrdreg $0x0  }
0xa8: {  	s5 =	sshll.u32 s28, $0x1;
	[dreg:$0x2] =	wrdreg s3  }
0xa9: {  	[dreg:$0x3] =	wrdreg s5  }
0xaa: {  	[dreg:$0x4] =	wrdreg $0xC0  }
0xab: {  	_ =	task [dreg:s7], $0x5FFFF  }
0xac: {  	[dreg:$0x1] =	wrdreg $0xFFFFFFFF  }
0xad: {  	[dreg:$0x0] =	wrdreg $0x60  }
0xae: {  	[dreg:$0x2] =	wrdreg s2  }
0xaf: {  	[dreg:$0x3] =	wrdreg s24  }
0xb0: {  	[dreg:$0x4] =	wrdreg $0x9  }
0xb1: {  	_ =	task.clear_ibuf [dreg:s7], $0x5FFFF;
	_ =	strace $0x90000046  }
0xb2: {  	s29 =	simm.s32 $0x9;
	_ =	strace $0x80000048  }
0xb3: {  	_ =	swait.ge [sflag:s29], $0x1  }
0xb4: {  	[sflag:s29] =	ssyncadd.s32 $0xFFFFFFFF  }
0xb5: {  	_ =	strace $0x90000048  }
0xb6: {  	_ =	sfence  }
0xb7: {  	s30 =	sld [smem:$0x0];
	_ =	sdelay $0x2  }
0xb8: {  	s31 =	sshll.u32 s1, $0xD;
	s1 =	sshrl.u32 s1, $0x2  }
0xb9: {  	s3 =	sand.u32 $0x4000, s31;
	s1 =	sadd.s32 s1, s30  }
0xba: {  	s0 =	sor.u32 s3, s0;
	s1 =	sshll.u32 s1, $0x11  }
0xbb: {  	s0 =	sor.u32 s1, s0  }
0xbc: {  	s0 =	sadd.s32 $0x8F2B, s0  }
0xbd: {  	[sflag:s0] =	ssyncadd.remote.s32 $0x1  }
0xbe: {  	_ =	sfence.sel $0xFFFF  }
0xbf: {  	[dreg:$0x0] =	wrdreg $0xFFFFFFFF;
	(pc) =	sbr.abs _section_cstart, $3  }
0xc0: {  	[dreg:$0x1] =	wrdreg $0xFFFFFFFF  }
0xc1: {  	_ =	task.clear_ibuf [dreg:s7], $0x2FFFF;
	_ =	strace $0x9FFFFFFF  }
0xc2: {  	(tm) =	ssettm $0x7FFFFFFF  }
0xc3: {  	_ =	shalt  }
tec
execute0_lowered:
.L_overlay_start_1:
0x0: {  	(tag) =	ssettag $0x1  }
0x1: {  	s2 =	rddreg [dreg:$0x0]  }
0x2: {  	s4 =	rddreg [dreg:$0x1]  }
0x3: {  	s1 =	stileid.u32;
	s3 =	srdreg.scid  }
0x4: {  	s0 =	rddreg [dreg:$0x2];
	s13 =	simm.s32 $0x100;
	s14 =	simm.s32 $0x3200  }
0x5: {  	s15 =	simm.s32 $0x180;
	s16 =	simm.s32 $0x4A00;
	s5 =	smul.u32 $0xA00, s1  }
0x6: {  	s17 =	simm.s32 $0x1;
	s18 =	simm.s32 $0x2;
	s8 =	smul.u32 $0x1E000, s1  }
0x7: {  	s19 =	simm.s32 $0x0;
	s6 =	sand.u32 $0x1, s3;
	s10 =	smul.u32 $0xF0000, s1  }
0x8: {  	s3 =	simm.s32 $0x0;
	s12 =	sadd.s32 $0xC000, s4;
	s23 =	smul.u32 $0x78000, s6  }
0x9: {  	s7 =	ssub.s32 $0x2, s6;
	[smem:$0x7FF] =	sst s3;
	s25 =	smul.u32 $0xF000, s6  }
0xa: {  	s28 =	smul.u32 $0x500, s6;
	s9 =	sshrl.u32 s7, $0x1;
	_ =	strace $0x80000047  }
0xb: {  	s11 =	sadd.s32 s5, s4;
	s24 =	sadd.s32 s8, s12;
	s7 =	ssub.s32 s7, s9  }
0xc: {  	s26 =	sadd.s32 s23, s10;
	s5 =	sadd.s32 s25, s24;
	s31 =	sadd.s32 s28, s11  }
0xd: {  	s10 =	simm.s32 $0x80;
	s11 =	simm.s32 $0x200;
	s9 =	sor.u32 $0x4800, s26  }
0xe: {  	s4 =	smax.u32 s7, $0x1;
	s8 =	sor.u32 $0x3000, s26;
	s29 =	sshrl.u32 s9, $0x3  }
0xf: {  	s30 =	sshrl.u32 s8, $0x3;
	s8 =	sadd.s32 $0x2000, s31;
	s9 =	simm.s32 $0x3  }
0x10: {  	s6 =	sadd.s32 s29, s12;
	s7 =	sadd.s32 s30, s12;
	s12 =	simm.s32 $0x1A00  }
.LBB2_1:
0x11: {  	[tilespmem:s3], [sflag:$0x3] =	stream.linear.gather [hbm4b:s8+s3], $0x200, $0x38;
	[tilespmem:$0x6200] =	vst v63  }
0x12: {  	_ =	swait.ge [sflag:s9], $0x200  }
0x13: {  	[sflag:s9] =	ssyncset.done $0x0  }
0x14: {  	[sflag:s9] =	ssyncadd.s32 $0xFFFFFE00  }
0x15: {  	[tilespmem:s11], [sflag:$0x1] =	stream.indirect.gather [hbm4b:s2+s10], $0x30, s3, s10, $0xb8;
	[tilespmem:$0x6200] =	vst v63  }
0x16: {  	_ = 	snop  }
0x17: {  	[tilespmem:s12], [sflag:$0x1] =	stream.indirect.gather [hbm4b:s2+s10], $0x30, s10, s10, $0xb8;
	[tilespmem:$0x6200] =	vst v63  }
0x18: {  	_ = 	snop  }
0x19: {  	[tilespmem:s14], [sflag:$0x1] =	stream.indirect.gather [hbm4b:s2+s10], $0x30, s13, s10, $0xb8;
	[tilespmem:$0x6200] =	vst v63  }
0x1a: {  	_ = 	snop  }
0x1b: {  	[tilespmem:s16], [sflag:$0x1] =	stream.indirect.gather [hbm4b:s2+s10], $0x30, s15, s10, $0xb8;
	[tilespmem:$0x6200] =	vst v63  }
0x1c: {  	_ =	swait.ge [sflag:s17], $0x1800  }
0x1d: {  	[sflag:s17] =	ssyncset.done $0x0  }
0x1e: {  	[sflag:s17] =	ssyncadd.s32 $0xFFFFE800  }
0x1f: {  	_ =	swait.ge [sflag:s17], $0x1800  }
0x20: {  	[sflag:s17] =	ssyncset.done $0x0  }
0x21: {  	[sflag:s17] =	ssyncadd.s32 $0xFFFFE800  }
0x22: {  	_ =	swait.ge [sflag:s17], $0x1800  }
0x23: {  	[sflag:s17] =	ssyncset.done $0x0  }
0x24: {  	[sflag:s17] =	ssyncadd.s32 $0xFFFFE800  }
0x25: {  	_ =	swait.ge [sflag:s17], $0x1800  }
0x26: {  	[sflag:s17] =	ssyncset.done $0x0  }
0x27: {  	s20 =	sadd.s32 $0x0, s5;
	[sflag:s17] =	ssyncadd.s32 $0xFFFFE800  }
0x28: {  	[hbm4b:s20+s3] =	stream.linear.scatter [tilespmem:s11], [sflag:$0x2], $0x1800, $0x38;
	[tilespmem:$0x6200] =	vst v63  }
0x29: {  	s20 =	sadd.s32 $0x300, s20  }
0x2a: {  	[hbm4b:s20+s3] =	stream.linear.scatter [tilespmem:s12], [sflag:$0x2], $0x1800, $0x38;
	[tilespmem:$0x6200] =	vst v63  }
0x2b: {  	s30 =	sadd.s32 $0x0, s7  }
0x2c: {  	[hbm4b:s30+s3] =	stream.linear.scatter [tilespmem:s14], [sflag:$0x2], $0x1800, $0x38;
	[tilespmem:$0x6200] =	vst v63  }
0x2d: {  	s31 =	sadd.s32 $0x0, s6  }
0x2e: {  	[hbm4b:s31+s3] =	stream.linear.scatter [tilespmem:s16], [sflag:$0x2], $0x1800, $0x38;
	[tilespmem:$0x6200] =	vst v63  }
0x2f: {  	_ =	swait.ge [sflag:s18], $0x1800  }
0x30: {  	[sflag:s18] =	ssyncset.done $0x0  }
0x31: {  	[sflag:s18] =	ssyncadd.s32 $0xFFFFE800  }
0x32: {  	_ =	swait.ge [sflag:s18], $0x1800  }
0x33: {  	[sflag:s18] =	ssyncset.done $0x0  }
0x34: {  	[sflag:s18] =	ssyncadd.s32 $0xFFFFE800  }
0x35: {  	_ =	swait.ge [sflag:s18], $0x1800  }
0x36: {  	[sflag:s18] =	ssyncset.done $0x0  }
0x37: {  	[sflag:s18] =	ssyncadd.s32 $0xFFFFE800  }
0x38: {  	_ =	swait.ge [sflag:s18], $0x1800  }
0x39: {  	s21 =	smov.u32 s8;
	s20 =	simm.s32 $0xC00;
	[sflag:s18] =	ssyncset.done $0x0  }
.LBB2_2:
0x3a: {  	p0 =	sne.s32 s20, $0xE400;
	[sflag:s18] =	ssyncadd.s32 $0xFFFFE800;
	s21 =	sadd.s32 $0x40, s21  }
0x3b: {  	[tilespmem:s3], [sflag:$0x3] =	stream.linear.gather [hbm4b:s21+s3], $0x200, $0x38;
	[tilespmem:$0x6200] =	vst v63  }
0x3c: {  	s22 =	smov.u32 s20;
	s20 =	sadd.s32 $0xC00, s20;
	_ =	swait.ge [sflag:s9], $0x200  }
0x3d: {  	[sflag:s9] =	ssyncset.done $0x0  }
0x3e: {  	[sflag:s9] =	ssyncadd.s32 $0xFFFFFE00  }
0x3f: {  	[tilespmem:s11], [sflag:$0x1] =	stream.indirect.gather [hbm4b:s2+s10], $0x30, s3, s10, $0xb8;
	[tilespmem:$0x6200] =	vst v63  }
0x40: {  	_ = 	snop  }
0x41: {  	[tilespmem:s12], [sflag:$0x1] =	stream.indirect.gather [hbm4b:s2+s10], $0x30, s10, s10, $0xb8;
	[tilespmem:$0x6200] =	vst v63  }
0x42: {  	_ = 	snop  }
0x43: {  	[tilespmem:s14], [sflag:$0x1] =	stream.indirect.gather [hbm4b:s2+s10], $0x30, s13, s10, $0xb8;
	[tilespmem:$0x6200] =	vst v63  }
0x44: {  	_ = 	snop  }
0x45: {  	[tilespmem:s16], [sflag:$0x1] =	stream.indirect.gather [hbm4b:s2+s10], $0x30, s15, s10, $0xb8;
	[tilespmem:$0x6200] =	vst v63  }
0x46: {  	_ =	swait.ge [sflag:s17], $0x1800  }
0x47: {  	[sflag:s17] =	ssyncset.done $0x0  }
0x48: {  	[sflag:s17] =	ssyncadd.s32 $0xFFFFE800  }
0x49: {  	_ =	swait.ge [sflag:s17], $0x1800  }
0x4a: {  	[sflag:s17] =	ssyncset.done $0x0  }
0x4b: {  	[sflag:s17] =	ssyncadd.s32 $0xFFFFE800  }
0x4c: {  	_ =	swait.ge [sflag:s17], $0x1800  }
0x4d: {  	[sflag:s17] =	ssyncset.done $0x0  }
0x4e: {  	[sflag:s17] =	ssyncadd.s32 $0xFFFFE800  }
0x4f: {  	_ =	swait.ge [sflag:s17], $0x1800  }
0x50: {  	[sflag:s17] =	ssyncset.done $0x0  }
0x51: {  	s23 =	sadd.s32 s22, s5;
	[sflag:s17] =	ssyncadd.s32 $0xFFFFE800  }
0x52: {  	[hbm4b:s23+s3] =	stream.linear.scatter [tilespmem:s11], [sflag:$0x2], $0x1800, $0x38;
	[tilespmem:$0x6200] =	vst v63  }
0x53: {  	s23 =	sadd.s32 $0x300, s23  }
0x54: {  	[hbm4b:s23+s3] =	stream.linear.scatter [tilespmem:s12], [sflag:$0x2], $0x1800, $0x38;
	[tilespmem:$0x6200] =	vst v63  }
0x55: {  	s23 =	sadd.s32 s22, s7  }
0x56: {  	[hbm4b:s23+s3] =	stream.linear.scatter [tilespmem:s14], [sflag:$0x2], $0x1800, $0x38;
	[tilespmem:$0x6200] =	vst v63  }
0x57: {  	s22 =	sadd.s32 s22, s6  }
0x58: {  	[hbm4b:s22+s3] =	stream.linear.scatter [tilespmem:s16], [sflag:$0x2], $0x1800, $0x38;
	[tilespmem:$0x6200] =	vst v63  }
0x59: {  	_ =	swait.ge [sflag:s18], $0x1800  }
0x5a: {  	[sflag:s18] =	ssyncset.done $0x0  }
0x5b: {  	[sflag:s18] =	ssyncadd.s32 $0xFFFFE800  }
0x5c: {  	_ =	swait.ge [sflag:s18], $0x1800  }
0x5d: {  	[sflag:s18] =	ssyncset.done $0x0  }
0x5e: {  	[sflag:s18] =	ssyncadd.s32 $0xFFFFE800  }
.Ltmp0:
0x5f: {  	_ =	swait.ge [sflag:s18], $0x1800;
	(pc) =	sbr.rel @p0 .LBB2_2-.Ltmp0, $4  }
0x60: {  	[sflag:s18] =	ssyncset.done $0x0  }
0x61: {  	[sflag:s18] =	ssyncadd.s32 $0xFFFFE800  }
0x62: {  	_ =	swait.ge [sflag:s18], $0x1800  }
0x63: {  	[sflag:s18] =	ssyncset.done $0x0  }
0x64: {  	s19 =	sadd.s32 $0x1, s19  }
0x65: {  	p0 =	sne.s32 s19, s4  }
.Ltmp1:
0x66: {  	_ = 	snop;
	(pc) =	sbr.rel @p0 .LBB2_1-.Ltmp1, $2  }
0x67: {  	_ =	sdelay $0x2  }
0x68: {  	[sflag:s18] =	ssyncadd.s32 $0xFFFFE800  }
0x69: {  	_ =	sfence.sel $0x180000  }
0x6a: {  	[bflag:$0x0] =	sbarrier.arrive $0xFFFF  }
0x6b: {  	p0 =	sne.s32 s1, $0x0;
	_ =	strace $0x90000047  }
0x6c: {  	s0 =	sadd.s32 @!p0 $0x100000, s0;
	[bflag:$0x2] =	sbarrier.arrive $0xFFFF  }
0x6d: {  	[sflag:s0] =	ssyncadd.tile.s32 @!p0 $0x1;
	_ =	shalt  }
.Lfunc_end2:
_tile_overlayer_lowered:
.L_overlay_start_2:
0x6e: {  	(tag) =	ssettag $0x2  }
0x6f: {  	s0 =	rddreg [dreg:$0x0];
	s2 =	stileid.u32  }
0x70: {  	s1 =	rddreg [dreg:$0x1];
	p0 =	sne.s32 s2, $0x0  }
0x71: {  	s3 =	rddreg [dreg:$0x2];
	[bflag:$0x3] =	sbarrier.arrive $0xFFFF;
	s2 =	simm.s32 @!p0 $0x1C03  }
0x72: {  	[timem:s3], [sflag:s2] =	dma.local @!p0 [hbm:s0], s1  }
0x73: {  	s0 =	simm.s32 @!p0 $0x3  }
0x74: {  	_ =	swait.ge @!p0 [sflag:s0], s1  }
0x75: {  	s1 =	ssub.s32 @!p0 $0x0, s1;
	[sflag:s0] =	ssyncset.done @!p0 $0x0  }
0x76: {  	[sflag:s0] =	ssyncadd.s32 @!p0 s1  }
0x77: {  	[bflag:$0x3] =	sbarrier.arrive $0xFFFF  }
0x78: {  	_ =	shalt  }

</sc_bundles>
